<compile_context>
chip_gen: v7x
topology: tpu7x:2x2x1
jax: 0.10.2.dev20260603
libtpu: 0.0.44.dev20260713+nightly
codegen_flags: <defaults>
</compile_context>

<pallas_src>
import functools

import jax
import jax.numpy as jnp
from jax import lax
from jax.experimental import pallas as pl
from jax.experimental.pallas import tpu as pltpu
from jax.experimental.pallas import tpu_sc as plsc

N_E = 8192
E_DIM = 256
BETA = 0.25
M = 8192
N_ELEMS = 2097152

BM = 1024
BC = 2048
NCH = N_E // BC
NI = M // BM

_NC = 2
_NS = 16
_NW = _NC * _NS
_BW = M // _NW
_HC = 2


def _argmin_body(zsq_ref, esq_ref, col_ref, z_ref, e_hbm, idx_ref, mind_ref,
                 e_vmem, e_sem):
    i = pl.program_id(0)

    @pl.when(i == 0)
    def _():
        pltpu.make_async_copy(e_hbm, e_vmem, e_sem).start()
        pltpu.make_async_copy(e_hbm, e_vmem, e_sem).wait()

    zsq = zsq_ref[...]
    z2 = z_ref[...] * 2.0
    run_min = None
    run_idx = None
    for c in range(NCH):
        sl = pl.ds(c * BC, BC)
        mm2 = lax.dot_general(z2, e_vmem[sl, :], (((1,), (1,)), ((), ())),
                              preferred_element_type=jnp.float32)
        d = (zsq + esq_ref[:, sl]) - mm2
        m = jnp.min(d, axis=1, keepdims=True)
        d2 = (zsq + esq_ref[:, sl]) - (mm2 * 1.0)
        ti = jnp.min(jnp.where(d2 == m, col_ref[:, sl], jnp.float32(2 ** 30)),
                     axis=1, keepdims=True)
        if c == 0:
            run_min, run_idx = m, ti
        else:
            better = m < run_min
            run_idx = jnp.where(better, ti, run_idx)
            run_min = jnp.where(better, m, run_min)
    idx_ref[...] = run_idx.astype(jnp.int32)
    mind_ref[...] = run_min


_argmin_call = pl.pallas_call(
    _argmin_body,
    grid=(NI,),
    in_specs=[
        pl.BlockSpec((BM, 1), lambda i: (i, 0)),
        pl.BlockSpec((1, N_E), lambda i: (0, 0)),
        pl.BlockSpec((1, N_E), lambda i: (0, 0)),
        pl.BlockSpec((BM, E_DIM), lambda i: (i, 0)),
        pl.BlockSpec(memory_space=pl.ANY),
    ],
    out_specs=[
        pl.BlockSpec((BM, 1), lambda i: (i, 0)),
        pl.BlockSpec((BM, 1), lambda i: (i, 0)),
    ],
    out_shape=[
        jax.ShapeDtypeStruct((M, 1), jnp.int32),
        jax.ShapeDtypeStruct((M, 1), jnp.float32),
    ],
    scratch_shapes=[
        pltpu.VMEM((N_E, E_DIM), jnp.float32),
        pltpu.SemaphoreType.DMA,
    ],
    compiler_params=pltpu.CompilerParams(
        dimension_semantics=("arbitrary",)),
)


def _stats_body(mind_ref, counts_ref, loss_ref, perp_ref):
    mean_d = jnp.sum(mind_ref[...]) / N_ELEMS
    loss_ref[...] = jnp.full((1, 1), BETA * mean_d + mean_d, jnp.float32)
    c = jnp.sum(counts_ref[...], axis=0, keepdims=True)
    p = c * (1.0 / M)
    ent = jnp.sum(p * jnp.log(p + 1e-10))
    perp_ref[...] = jnp.full((1, 1), jnp.exp(-ent), jnp.float32)


_stats_call = pl.pallas_call(
    _stats_body,
    out_shape=[
        jax.ShapeDtypeStruct((1, 1), jnp.float32),
        jax.ShapeDtypeStruct((1, 1), jnp.float32),
    ],
)


def _sc_gather_hist_body(emb_hbm, idx_hbm, zq_hbm, counts_hbm,
                         idx_v, rows_v, ones_v, zeros_v, counts_sh, sem):
    c = lax.axis_index("c")
    s = lax.axis_index("s")
    wid = s * _NC + c
    base = wid * _BW

    pltpu.sync_copy(idx_hbm.at[wid], idx_v)

    for k in range(128 // 16):
        ones_v[pl.ds(k * 16, 16)] = jnp.full((16,), 1.0, jnp.float32)
    zper = N_E // _NS
    for k in range(zper // 16):
        zeros_v[pl.ds(k * 16, 16)] = jnp.full((16,), 0.0, jnp.float32)
    pltpu.sync_copy(zeros_v, counts_sh.at[pl.ds(s * zper, zper)])
    plsc.subcore_barrier()

    for h in range(_HC):
        pltpu.async_copy(emb_hbm.at[idx_v.at[h]],
                         rows_v.at[pl.ds(h * (_BW // _HC), _BW // _HC)], sem).wait()
    pltpu.sync_copy(rows_v, zq_hbm.at[pl.ds(base, _BW)])

    for h in range(_HC):
        pltpu.sync_copy(ones_v, counts_sh.at[idx_v.at[h]], add=True)
    plsc.subcore_barrier()

    @pl.when(s == 0)
    def _():
        pltpu.sync_copy(counts_sh, counts_hbm.at[c])


@functools.cache
def _sc_gather_hist_kernel():
    return pl.kernel(
        _sc_gather_hist_body,
        out_type=[
            jax.ShapeDtypeStruct((M, E_DIM), jnp.float32),
            jax.ShapeDtypeStruct((_NC, N_E), jnp.float32),
        ],
        mesh=plsc.VectorSubcoreMesh(core_axis_name="c", subcore_axis_name="s",
                                    num_cores=_NC, num_subcores=_NS),
        scratch_types=[
            pltpu.VMEM((_HC, 128), jnp.int32),
            pltpu.VMEM((_BW, E_DIM), jnp.float32),
            pltpu.VMEM((128,), jnp.float32),
            pltpu.VMEM((N_E // _NS,), jnp.float32),
            pltpu.VMEM_SHARED((N_E,), jnp.float32),
            pltpu.SemaphoreType.DMA,
        ],
    )


def kernel(z, embeddings):
    z_flat = jnp.transpose(z, (0, 2, 3, 1)).reshape(-1, E_DIM)
    zsq = jnp.sum(z_flat ** 2, axis=1, keepdims=True)
    esq = jnp.sum(embeddings ** 2, axis=1)[None, :]

    col = lax.broadcasted_iota(jnp.float32, (1, N_E), 1)
    idx2d, mind = _argmin_call(zsq, esq, col, z_flat, embeddings)
    idx = idx2d.reshape(M)

    zq_rows, counts2 = _sc_gather_hist_kernel()(embeddings,
                                                idx.reshape(_NW, _HC, 128))
    loss11, perp11 = _stats_call(mind, counts2)

    z_q = zq_rows.reshape(8, 32, 32, E_DIM).transpose(0, 3, 1, 2)
    enc = idx.reshape(8, 32, 32)
    return (z_q, enc, loss11.reshape(()), perp11.reshape(()))

# --- scband reference (transcript-rebuilt; emitter-appended) ---
"""Pipeline reference for scband-vector-quantizer-24550033064210 (READ-ONLY COPY).

The authoritative reference and input builder live on the scoring server;
editing this copy changes nothing except your own understanding.
"""

import jax, jax.numpy as jnp
import numpy as np

N_E = 8192
E_DIM = 256
BETA = 0.25

def setup_inputs(seed: int = 0) -> dict:
    key = jax.random.key(seed)
    k1, k2 = jax.random.split(key)
    z = jax.random.normal(k1, (8, 256, 32, 32), dtype=jnp.float32)
    embeddings = jax.random.uniform(k2, (N_E, E_DIM), dtype=jnp.float32) * 2.0 / N_E - 1.0 / N_E
    return {"z": z, "embeddings": embeddings}

def reference(z, embeddings):
    # z: [B, C, H, W] -> [B, H, W, C]
    z_flat = jnp.transpose(z, (0, 2, 3, 1))
    z_e_size = z_flat.shape
    z_flat = z_flat.reshape(-1, z_flat.shape[-1])
    d = (jnp.sum(z_flat ** 2, axis=1, keepdims=True)
         + jnp.sum(embeddings ** 2, axis=1)[None, :]
         - 2.0 * jnp.einsum('bd,nd->bn', z_flat, embeddings))
    min_encoding_indices = jnp.argmin(d, axis=1)
    z_q = jnp.take(embeddings, min_encoding_indices, axis=0)
    z_q = z_q.reshape(z_e_size)
    z_q = jnp.transpose(z_q, (0, 3, 1, 2))
    loss = (BETA * jnp.mean((jax.lax.stop_gradient(z_q) - z) ** 2)
            + jnp.mean((z_q - jax.lax.stop_gradient(z)) ** 2))
    z_q_st = z + jax.lax.stop_gradient(z_q - z)
    encodings_one_hot = jax.nn.one_hot(min_encoding_indices, N_E, dtype=jnp.float32)
    avg_probs = jnp.mean(encodings_one_hot, axis=0)
    perplexity = jnp.exp(-jnp.sum(avg_probs * jnp.log(avg_probs + 1e-10)))
    enc = min_encoding_indices.reshape(z_e_size[:-1])
    return (z_q_st, enc, loss, perplexity)

if __name__ == "__main__":
    import jax
    _d = setup_inputs()
    print(jax.jit(kernel)(*tuple(_d.values())))

</pallas_src>

<mosaic_0001>
#map = affine_map<(d0, d1) -> (0, 0)>
#map1 = affine_map<(d0, d1) -> (0, 0, 0)>
module attributes {stable_mosaic.version = 14 : i64} {
  func.func @_sc_gather_hist_body(%arg0: i32, %arg1: i32, %arg2: memref<8192x256xf32, #tpu.memory_space<hbm>>, %arg3: memref<32x2x128xi32, #tpu.memory_space<hbm>>, %arg4: memref<8192x256xf32, #tpu.memory_space<hbm>>, %arg5: memref<2x8192xf32, #tpu.memory_space<hbm>>, %arg6: memref<2x128xi32, #tpu.memory_space<vmem>>, %arg7: memref<256x256xf32, #tpu.memory_space<vmem>>, %arg8: memref<128xf32, #tpu.memory_space<vmem>>, %arg9: memref<512xf32, #tpu.memory_space<vmem>>, %arg10: memref<8192xf32, #tpu.memory_space<vmem_shared>>, %arg11: memref<!tpu.dma_semaphore, #tpu.memory_space<semaphore_mem>>) attributes {dimension_semantics = [#tpu.dimension_semantics<core_parallel>, #tpu.dimension_semantics<subcore_parallel>], iteration_bounds = array<i64: 2, 16>, scalar_prefetch = 0 : i64, scratch_operands = 6 : i64, tpu.core_type = #tpu.core_type<sc_vector_subcore>, window_params = [{transform_indices = #map}, {transform_indices = #map1}, {transform_indices = #map}, {transform_indices = #map}]} {
    %mul3A = arith.constant 2 : i32
    %mul3A_0 = arith.muli %arg1, %mul3A : i32
    %add3A = arith.addi %mul3A_0, %arg0 : i32
    %mul3A_1 = arith.constant 256 : i32
    %mul3A_2 = arith.muli %add3A, %mul3A_1 : i32
    "tpu.region"() ({
      %run_scoped3A_285 = tpu.sem_alloc : memref<!tpu.dma_semaphore, #tpu.memory_space<semaphore_mem>>
      %dma_start3A_286 = arith.constant 0 : i32
      %dma_start3A_287 = arith.constant 0 : i32
      %dma_start3A_288 = tpu.memref_slice %arg3[%add3A, %dma_start3A_286, %dma_start3A_287] : memref<32x2x128xi32, #tpu.memory_space<hbm>> -> memref<1x2x128xi32, #tpu.memory_space<hbm>>
      %dma_start3A_289 = tpu.memref_squeeze %dma_start3A_288 : memref<1x2x128xi32, #tpu.memory_space<hbm>> -> memref<2x128xi32, #tpu.memory_space<hbm>>
      %dma_start3A_290 = arith.constant 0 : i32
      %dma_start3A_291 = arith.constant 0 : i32
      %dma_start3A_292 = tpu.memref_slice %arg3[%add3A, %dma_start3A_290, %dma_start3A_291] : memref<32x2x128xi32, #tpu.memory_space<hbm>> -> memref<1x2x128xi32, #tpu.memory_space<hbm>>
      %dma_start3A_293 = tpu.memref_squeeze %dma_start3A_292 : memref<1x2x128xi32, #tpu.memory_space<hbm>> -> memref<2x128xi32, #tpu.memory_space<hbm>>
      tpu.enqueue_dma source(%dma_start3A_293 : memref<2x128xi32, #tpu.memory_space<hbm>>) target(%arg6 : memref<2x128xi32, #tpu.memory_space<vmem>>) target_semaphore(%run_scoped3A_285 : memref<!tpu.dma_semaphore, #tpu.memory_space<semaphore_mem>>)
      %dma_wait3A_294 = arith.constant 0 : i32
      %dma_wait3A_295 = arith.constant 0 : i32
      %dma_wait3A_296 = tpu.memref_slice %arg3[%add3A, %dma_wait3A_294, %dma_wait3A_295] : memref<32x2x128xi32, #tpu.memory_space<hbm>> -> memref<1x2x128xi32, #tpu.memory_space<hbm>>
      %dma_wait3A_297 = tpu.memref_squeeze %dma_wait3A_296 : memref<1x2x128xi32, #tpu.memory_space<hbm>> -> memref<2x128xi32, #tpu.memory_space<hbm>>
      %dma_wait3A_298 = arith.constant 0 : i32
      %dma_wait3A_299 = arith.constant 0 : i32
      %dma_wait3A_300 = tpu.memref_slice %arg3[%add3A, %dma_wait3A_298, %dma_wait3A_299] : memref<32x2x128xi32, #tpu.memory_space<hbm>> -> memref<1x2x128xi32, #tpu.memory_space<hbm>>
      %dma_wait3A_301 = tpu.memref_squeeze %dma_wait3A_300 : memref<1x2x128xi32, #tpu.memory_space<hbm>> -> memref<2x128xi32, #tpu.memory_space<hbm>>
      tpu.wait_dma2 semaphore(%run_scoped3A_285 : memref<!tpu.dma_semaphore, #tpu.memory_space<semaphore_mem>>) src(%dma_wait3A_301 : memref<2x128xi32, #tpu.memory_space<hbm>>) dst(%arg6 : memref<2x128xi32, #tpu.memory_space<vmem>>)
      tpu.yield
    }) : () -> ()
    %broadcast_in_dim3A = arith.constant 1.000000e+00 : f32
    %broadcast_in_dim3A_3 = vector.broadcast %broadcast_in_dim3A : f32 to vector<16xf32>
    %swap3A = arith.constant 0 : index
    %swap3A_4 = tpu.vector_load %arg8[%swap3A] {strides = array<i32>} : memref<128xf32, #tpu.memory_space<vmem>>, vector<16xf32>,
    %swap3A_5 = vector.shape_cast %swap3A_4 : vector<16xf32> to vector<16xf32>
    %swap3A_6 = vector.shape_cast %broadcast_in_dim3A_3 : vector<16xf32> to vector<16xf32>
    tpu.vector_store %arg8[%swap3A], %swap3A_6 {strides = array<i32>} : memref<128xf32, #tpu.memory_space<vmem>>, vector<16xf32>,
    %broadcast_in_dim3A_7 = arith.constant 1.000000e+00 : f32
    %broadcast_in_dim3A_8 = vector.broadcast %broadcast_in_dim3A_7 : f32 to vector<16xf32>
    %swap3A_9 = arith.constant 16 : index
    %swap3A_10 = tpu.vector_load %arg8[%swap3A_9] {strides = array<i32>} : memref<128xf32, #tpu.memory_space<vmem>>, vector<16xf32>,
    %swap3A_11 = vector.shape_cast %swap3A_10 : vector<16xf32> to vector<16xf32>
    %swap3A_12 = vector.shape_cast %broadcast_in_dim3A_8 : vector<16xf32> to vector<16xf32>
    tpu.vector_store %arg8[%swap3A_9], %swap3A_12 {strides = array<i32>} : memref<128xf32, #tpu.memory_space<vmem>>, vector<16xf32>,
    %broadcast_in_dim3A_13 = arith.constant 1.000000e+00 : f32
    %broadcast_in_dim3A_14 = vector.broadcast %broadcast_in_dim3A_13 : f32 to vector<16xf32>
    %swap3A_15 = arith.constant 32 : index
    %swap3A_16 = tpu.vector_load %arg8[%swap3A_15] {strides = array<i32>} : memref<128xf32, #tpu.memory_space<vmem>>, vector<16xf32>,
    %swap3A_17 = vector.shape_cast %swap3A_16 : vector<16xf32> to vector<16xf32>
    %swap3A_18 = vector.shape_cast %broadcast_in_dim3A_14 : vector<16xf32> to vector<16xf32>
    tpu.vector_store %arg8[%swap3A_15], %swap3A_18 {strides = array<i32>} : memref<128xf32, #tpu.memory_space<vmem>>, vector<16xf32>,
    %broadcast_in_dim3A_19 = arith.constant 1.000000e+00 : f32
    %broadcast_in_dim3A_20 = vector.broadcast %broadcast_in_dim3A_19 : f32 to vector<16xf32>
    %swap3A_21 = arith.constant 48 : index
    %swap3A_22 = tpu.vector_load %arg8[%swap3A_21] {strides = array<i32>} : memref<128xf32, #tpu.memory_space<vmem>>, vector<16xf32>,
    %swap3A_23 = vector.shape_cast %swap3A_22 : vector<16xf32> to vector<16xf32>
    %swap3A_24 = vector.shape_cast %broadcast_in_dim3A_20 : vector<16xf32> to vector<16xf32>
    tpu.vector_store %arg8[%swap3A_21], %swap3A_24 {strides = array<i32>} : memref<128xf32, #tpu.memory_space<vmem>>, vector<16xf32>,
    %broadcast_in_dim3A_25 = arith.constant 1.000000e+00 : f32
    %broadcast_in_dim3A_26 = vector.broadcast %broadcast_in_dim3A_25 : f32 to vector<16xf32>
    %swap3A_27 = arith.constant 64 : index
    %swap3A_28 = tpu.vector_load %arg8[%swap3A_27] {strides = array<i32>} : memref<128xf32, #tpu.memory_space<vmem>>, vector<16xf32>,
    %swap3A_29 = vector.shape_cast %swap3A_28 : vector<16xf32> to vector<16xf32>
    %swap3A_30 = vector.shape_cast %broadcast_in_dim3A_26 : vector<16xf32> to vector<16xf32>
    tpu.vector_store %arg8[%swap3A_27], %swap3A_30 {strides = array<i32>} : memref<128xf32, #tpu.memory_space<vmem>>, vector<16xf32>,
    %broadcast_in_dim3A_31 = arith.constant 1.000000e+00 : f32
    %broadcast_in_dim3A_32 = vector.broadcast %broadcast_in_dim3A_31 : f32 to vector<16xf32>
    %swap3A_33 = arith.constant 80 : index
    %swap3A_34 = tpu.vector_load %arg8[%swap3A_33] {strides = array<i32>} : memref<128xf32, #tpu.memory_space<vmem>>, vector<16xf32>,
    %swap3A_35 = vector.shape_cast %swap3A_34 : vector<16xf32> to vector<16xf32>
    %swap3A_36 = vector.shape_cast %broadcast_in_dim3A_32 : vector<16xf32> to vector<16xf32>
    tpu.vector_store %arg8[%swap3A_33], %swap3A_36 {strides = array<i32>} : memref<128xf32, #tpu.memory_space<vmem>>, vector<16xf32>,
    %broadcast_in_dim3A_37 = arith.constant 1.000000e+00 : f32
    %broadcast_in_dim3A_38 = vector.broadcast %broadcast_in_dim3A_37 : f32 to vector<16xf32>
    %swap3A_39 = arith.constant 96 : index
    %swap3A_40 = tpu.vector_load %arg8[%swap3A_39] {strides = array<i32>} : memref<128xf32, #tpu.memory_space<vmem>>, vector<16xf32>,
    %swap3A_41 = vector.shape_cast %swap3A_40 : vector<16xf32> to vector<16xf32>
    %swap3A_42 = vector.shape_cast %broadcast_in_dim3A_38 : vector<16xf32> to vector<16xf32>
    tpu.vector_store %arg8[%swap3A_39], %swap3A_42 {strides = array<i32>} : memref<128xf32, #tpu.memory_space<vmem>>, vector<16xf32>,
    %broadcast_in_dim3A_43 = arith.constant 1.000000e+00 : f32
    %broadcast_in_dim3A_44 = vector.broadcast %broadcast_in_dim3A_43 : f32 to vector<16xf32>
    %swap3A_45 = arith.constant 112 : index
    %swap3A_46 = tpu.vector_load %arg8[%swap3A_45] {strides = array<i32>} : memref<128xf32, #tpu.memory_space<vmem>>, vector<16xf32>,
    %swap3A_47 = vector.shape_cast %swap3A_46 : vector<16xf32> to vector<16xf32>
    %swap3A_48 = vector.shape_cast %broadcast_in_dim3A_44 : vector<16xf32> to vector<16xf32>
    tpu.vector_store %arg8[%swap3A_45], %swap3A_48 {strides = array<i32>} : memref<128xf32, #tpu.memory_space<vmem>>, vector<16xf32>,
    %broadcast_in_dim3A_49 = arith.constant 0.000000e+00 : f32
    %broadcast_in_dim3A_50 = vector.broadcast %broadcast_in_dim3A_49 : f32 to vector<16xf32>
    %swap3A_51 = arith.constant 0 : index
    %swap3A_52 = tpu.vector_load %arg9[%swap3A_51] {strides = array<i32>} : memref<512xf32, #tpu.memory_space<vmem>>, vector<16xf32>,
    %swap3A_53 = vector.shape_cast %swap3A_52 : vector<16xf32> to vector<16xf32>
    %swap3A_54 = vector.shape_cast %broadcast_in_dim3A_50 : vector<16xf32> to vector<16xf32>
    tpu.vector_store %arg9[%swap3A_51], %swap3A_54 {strides = array<i32>} : memref<512xf32, #tpu.memory_space<vmem>>, vector<16xf32>,
    %broadcast_in_dim3A_55 = arith.constant 0.000000e+00 : f32
    %broadcast_in_dim3A_56 = vector.broadcast %broadcast_in_dim3A_55 : f32 to vector<16xf32>
    %swap3A_57 = arith.constant 16 : index
    %swap3A_58 = tpu.vector_load %arg9[%swap3A_57] {strides = array<i32>} : memref<512xf32, #tpu.memory_space<vmem>>, vector<16xf32>,
    %swap3A_59 = vector.shape_cast %swap3A_58 : vector<16xf32> to vector<16xf32>
    %swap3A_60 = vector.shape_cast %broadcast_in_dim3A_56 : vector<16xf32> to vector<16xf32>
    tpu.vector_store %arg9[%swap3A_57], %swap3A_60 {strides = array<i32>} : memref<512xf32, #tpu.memory_space<vmem>>, vector<16xf32>,
    %broadcast_in_dim3A_61 = arith.constant 0.000000e+00 : f32
    %broadcast_in_dim3A_62 = vector.broadcast %broadcast_in_dim3A_61 : f32 to vector<16xf32>
    %swap3A_63 = arith.constant 32 : index
    %swap3A_64 = tpu.vector_load %arg9[%swap3A_63] {strides = array<i32>} : memref<512xf32, #tpu.memory_space<vmem>>, vector<16xf32>,
    %swap3A_65 = vector.shape_cast %swap3A_64 : vector<16xf32> to vector<16xf32>
    %swap3A_66 = vector.shape_cast %broadcast_in_dim3A_62 : vector<16xf32> to vector<16xf32>
    tpu.vector_store %arg9[%swap3A_63], %swap3A_66 {strides = array<i32>} : memref<512xf32, #tpu.memory_space<vmem>>, vector<16xf32>,
    %broadcast_in_dim3A_67 = arith.constant 0.000000e+00 : f32
    %broadcast_in_dim3A_68 = vector.broadcast %broadcast_in_dim3A_67 : f32 to vector<16xf32>
    %swap3A_69 = arith.constant 48 : index
    %swap3A_70 = tpu.vector_load %arg9[%swap3A_69] {strides = array<i32>} : memref<512xf32, #tpu.memory_space<vmem>>, vector<16xf32>,
    %swap3A_71 = vector.shape_cast %swap3A_70 : vector<16xf32> to vector<16xf32>
    %swap3A_72 = vector.shape_cast %broadcast_in_dim3A_68 : vector<16xf32> to vector<16xf32>
    tpu.vector_store %arg9[%swap3A_69], %swap3A_72 {strides = array<i32>} : memref<512xf32, #tpu.memory_space<vmem>>, vector<16xf32>,
    %broadcast_in_dim3A_73 = arith.constant 0.000000e+00 : f32
    %broadcast_in_dim3A_74 = vector.broadcast %broadcast_in_dim3A_73 : f32 to vector<16xf32>
    %swap3A_75 = arith.constant 64 : index
    %swap3A_76 = tpu.vector_load %arg9[%swap3A_75] {strides = array<i32>} : memref<512xf32, #tpu.memory_space<vmem>>, vector<16xf32>,
    %swap3A_77 = vector.shape_cast %swap3A_76 : vector<16xf32> to vector<16xf32>
    %swap3A_78 = vector.shape_cast %broadcast_in_dim3A_74 : vector<16xf32> to vector<16xf32>
    tpu.vector_store %arg9[%swap3A_75], %swap3A_78 {strides = array<i32>} : memref<512xf32, #tpu.memory_space<vmem>>, vector<16xf32>,
    %broadcast_in_dim3A_79 = arith.constant 0.000000e+00 : f32
    %broadcast_in_dim3A_80 = vector.broadcast %broadcast_in_dim3A_79 : f32 to vector<16xf32>
    %swap3A_81 = arith.constant 80 : index
    %swap3A_82 = tpu.vector_load %arg9[%swap3A_81] {strides = array<i32>} : memref<512xf32, #tpu.memory_space<vmem>>, vector<16xf32>,
    %swap3A_83 = vector.shape_cast %swap3A_82 : vector<16xf32> to vector<16xf32>
    %swap3A_84 = vector.shape_cast %broadcast_in_dim3A_80 : vector<16xf32> to vector<16xf32>
    tpu.vector_store %arg9[%swap3A_81], %swap3A_84 {strides = array<i32>} : memref<512xf32, #tpu.memory_space<vmem>>, vector<16xf32>,
    %broadcast_in_dim3A_85 = arith.constant 0.000000e+00 : f32
    %broadcast_in_dim3A_86 = vector.broadcast %broadcast_in_dim3A_85 : f32 to vector<16xf32>
    %swap3A_87 = arith.constant 96 : index
    %swap3A_88 = tpu.vector_load %arg9[%swap3A_87] {strides = array<i32>} : memref<512xf32, #tpu.memory_space<vmem>>, vector<16xf32>,
    %swap3A_89 = vector.shape_cast %swap3A_88 : vector<16xf32> to vector<16xf32>
    %swap3A_90 = vector.shape_cast %broadcast_in_dim3A_86 : vector<16xf32> to vector<16xf32>
    tpu.vector_store %arg9[%swap3A_87], %swap3A_90 {strides = array<i32>} : memref<512xf32, #tpu.memory_space<vmem>>, vector<16xf32>,
    %broadcast_in_dim3A_91 = arith.constant 0.000000e+00 : f32
    %broadcast_in_dim3A_92 = vector.broadcast %broadcast_in_dim3A_91 : f32 to vector<16xf32>
    %swap3A_93 = arith.constant 112 : index
    %swap3A_94 = tpu.vector_load %arg9[%swap3A_93] {strides = array<i32>} : memref<512xf32, #tpu.memory_space<vmem>>, vector<16xf32>,
    %swap3A_95 = vector.shape_cast %swap3A_94 : vector<16xf32> to vector<16xf32>
    %swap3A_96 = vector.shape_cast %broadcast_in_dim3A_92 : vector<16xf32> to vector<16xf32>
    tpu.vector_store %arg9[%swap3A_93], %swap3A_96 {strides = array<i32>} : memref<512xf32, #tpu.memory_space<vmem>>, vector<16xf32>,
    %broadcast_in_dim3A_97 = arith.constant 0.000000e+00 : f32
    %broadcast_in_dim3A_98 = vector.broadcast %broadcast_in_dim3A_97 : f32 to vector<16xf32>
    %swap3A_99 = arith.constant 128 : index
    %swap3A_100 = tpu.vector_load %arg9[%swap3A_99] {strides = array<i32>} : memref<512xf32, #tpu.memory_space<vmem>>, vector<16xf32>,
    %swap3A_101 = vector.shape_cast %swap3A_100 : vector<16xf32> to vector<16xf32>
    %swap3A_102 = vector.shape_cast %broadcast_in_dim3A_98 : vector<16xf32> to vector<16xf32>
    tpu.vector_store %arg9[%swap3A_99], %swap3A_102 {strides = array<i32>} : memref<512xf32, #tpu.memory_space<vmem>>, vector<16xf32>,
    %broadcast_in_dim3A_103 = arith.constant 0.000000e+00 : f32
    %broadcast_in_dim3A_104 = vector.broadcast %broadcast_in_dim3A_103 : f32 to vector<16xf32>
    %swap3A_105 = arith.constant 144 : index
    %swap3A_106 = tpu.vector_load %arg9[%swap3A_105] {strides = array<i32>} : memref<512xf32, #tpu.memory_space<vmem>>, vector<16xf32>,
    %swap3A_107 = vector.shape_cast %swap3A_106 : vector<16xf32> to vector<16xf32>
    %swap3A_108 = vector.shape_cast %broadcast_in_dim3A_104 : vector<16xf32> to vector<16xf32>
    tpu.vector_store %arg9[%swap3A_105], %swap3A_108 {strides = array<i32>} : memref<512xf32, #tpu.memory_space<vmem>>, vector<16xf32>,
    %broadcast_in_dim3A_109 = arith.constant 0.000000e+00 : f32
    %broadcast_in_dim3A_110 = vector.broadcast %broadcast_in_dim3A_109 : f32 to vector<16xf32>
    %swap3A_111 = arith.constant 160 : index
    %swap3A_112 = tpu.vector_load %arg9[%swap3A_111] {strides = array<i32>} : memref<512xf32, #tpu.memory_space<vmem>>, vector<16xf32>,
    %swap3A_113 = vector.shape_cast %swap3A_112 : vector<16xf32> to vector<16xf32>
    %swap3A_114 = vector.shape_cast %broadcast_in_dim3A_110 : vector<16xf32> to vector<16xf32>
    tpu.vector_store %arg9[%swap3A_111], %swap3A_114 {strides = array<i32>} : memref<512xf32, #tpu.memory_space<vmem>>, vector<16xf32>,
    %broadcast_in_dim3A_115 = arith.constant 0.000000e+00 : f32
    %broadcast_in_dim3A_116 = vector.broadcast %broadcast_in_dim3A_115 : f32 to vector<16xf32>
    %swap3A_117 = arith.constant 176 : index
    %swap3A_118 = tpu.vector_load %arg9[%swap3A_117] {strides = array<i32>} : memref<512xf32, #tpu.memory_space<vmem>>, vector<16xf32>,
    %swap3A_119 = vector.shape_cast %swap3A_118 : vector<16xf32> to vector<16xf32>
    %swap3A_120 = vector.shape_cast %broadcast_in_dim3A_116 : vector<16xf32> to vector<16xf32>
    tpu.vector_store %arg9[%swap3A_117], %swap3A_120 {strides = array<i32>} : memref<512xf32, #tpu.memory_space<vmem>>, vector<16xf32>,
    %broadcast_in_dim3A_121 = arith.constant 0.000000e+00 : f32
    %broadcast_in_dim3A_122 = vector.broadcast %broadcast_in_dim3A_121 : f32 to vector<16xf32>
    %swap3A_123 = arith.constant 192 : index
    %swap3A_124 = tpu.vector_load %arg9[%swap3A_123] {strides = array<i32>} : memref<512xf32, #tpu.memory_space<vmem>>, vector<16xf32>,
    %swap3A_125 = vector.shape_cast %swap3A_124 : vector<16xf32> to vector<16xf32>
    %swap3A_126 = vector.shape_cast %broadcast_in_dim3A_122 : vector<16xf32> to vector<16xf32>
    tpu.vector_store %arg9[%swap3A_123], %swap3A_126 {strides = array<i32>} : memref<512xf32, #tpu.memory_space<vmem>>, vector<16xf32>,
    %broadcast_in_dim3A_127 = arith.constant 0.000000e+00 : f32
    %broadcast_in_dim3A_128 = vector.broadcast %broadcast_in_dim3A_127 : f32 to vector<16xf32>
    %swap3A_129 = arith.constant 208 : index
    %swap3A_130 = tpu.vector_load %arg9[%swap3A_129] {strides = array<i32>} : memref<512xf32, #tpu.memory_space<vmem>>, vector<16xf32>,
    %swap3A_131 = vector.shape_cast %swap3A_130 : vector<16xf32> to vector<16xf32>
    %swap3A_132 = vector.shape_cast %broadcast_in_dim3A_128 : vector<16xf32> to vector<16xf32>
    tpu.vector_store %arg9[%swap3A_129], %swap3A_132 {strides = array<i32>} : memref<512xf32, #tpu.memory_space<vmem>>, vector<16xf32>,
    %broadcast_in_dim3A_133 = arith.constant 0.000000e+00 : f32
    %broadcast_in_dim3A_134 = vector.broadcast %broadcast_in_dim3A_133 : f32 to vector<16xf32>
    %swap3A_135 = arith.constant 224 : index
    %swap3A_136 = tpu.vector_load %arg9[%swap3A_135] {strides = array<i32>} : memref<512xf32, #tpu.memory_space<vmem>>, vector<16xf32>,
    %swap3A_137 = vector.shape_cast %swap3A_136 : vector<16xf32> to vector<16xf32>
    %swap3A_138 = vector.shape_cast %broadcast_in_dim3A_134 : vector<16xf32> to vector<16xf32>
    tpu.vector_store %arg9[%swap3A_135], %swap3A_138 {strides = array<i32>} : memref<512xf32, #tpu.memory_space<vmem>>, vector<16xf32>,
    %broadcast_in_dim3A_139 = arith.constant 0.000000e+00 : f32
    %broadcast_in_dim3A_140 = vector.broadcast %broadcast_in_dim3A_139 : f32 to vector<16xf32>
    %swap3A_141 = arith.constant 240 : index
    %swap3A_142 = tpu.vector_load %arg9[%swap3A_141] {strides = array<i32>} : memref<512xf32, #tpu.memory_space<vmem>>, vector<16xf32>,
    %swap3A_143 = vector.shape_cast %swap3A_142 : vector<16xf32> to vector<16xf32>
    %swap3A_144 = vector.shape_cast %broadcast_in_dim3A_140 : vector<16xf32> to vector<16xf32>
    tpu.vector_store %arg9[%swap3A_141], %swap3A_144 {strides = array<i32>} : memref<512xf32, #tpu.memory_space<vmem>>, vector<16xf32>,
    %broadcast_in_dim3A_145 = arith.constant 0.000000e+00 : f32
    %broadcast_in_dim3A_146 = vector.broadcast %broadcast_in_dim3A_145 : f32 to vector<16xf32>
    %swap3A_147 = arith.constant 256 : index
    %swap3A_148 = tpu.vector_load %arg9[%swap3A_147] {strides = array<i32>} : memref<512xf32, #tpu.memory_space<vmem>>, vector<16xf32>,
    %swap3A_149 = vector.shape_cast %swap3A_148 : vector<16xf32> to vector<16xf32>
    %swap3A_150 = vector.shape_cast %broadcast_in_dim3A_146 : vector<16xf32> to vector<16xf32>
    tpu.vector_store %arg9[%swap3A_147], %swap3A_150 {strides = array<i32>} : memref<512xf32, #tpu.memory_space<vmem>>, vector<16xf32>,
    %broadcast_in_dim3A_151 = arith.constant 0.000000e+00 : f32
    %broadcast_in_dim3A_152 = vector.broadcast %broadcast_in_dim3A_151 : f32 to vector<16xf32>
    %swap3A_153 = arith.constant 272 : index
    %swap3A_154 = tpu.vector_load %arg9[%swap3A_153] {strides = array<i32>} : memref<512xf32, #tpu.memory_space<vmem>>, vector<16xf32>,
    %swap3A_155 = vector.shape_cast %swap3A_154 : vector<16xf32> to vector<16xf32>
    %swap3A_156 = vector.shape_cast %broadcast_in_dim3A_152 : vector<16xf32> to vector<16xf32>
    tpu.vector_store %arg9[%swap3A_153], %swap3A_156 {strides = array<i32>} : memref<512xf32, #tpu.memory_space<vmem>>, vector<16xf32>,
    %broadcast_in_dim3A_157 = arith.constant 0.000000e+00 : f32
    %broadcast_in_dim3A_158 = vector.broadcast %broadcast_in_dim3A_157 : f32 to vector<16xf32>
    %swap3A_159 = arith.constant 288 : index
    %swap3A_160 = tpu.vector_load %arg9[%swap3A_159] {strides = array<i32>} : memref<512xf32, #tpu.memory_space<vmem>>, vector<16xf32>,
    %swap3A_161 = vector.shape_cast %swap3A_160 : vector<16xf32> to vector<16xf32>
    %swap3A_162 = vector.shape_cast %broadcast_in_dim3A_158 : vector<16xf32> to vector<16xf32>
    tpu.vector_store %arg9[%swap3A_159], %swap3A_162 {strides = array<i32>} : memref<512xf32, #tpu.memory_space<vmem>>, vector<16xf32>,
    %broadcast_in_dim3A_163 = arith.constant 0.000000e+00 : f32
    %broadcast_in_dim3A_164 = vector.broadcast %broadcast_in_dim3A_163 : f32 to vector<16xf32>
    %swap3A_165 = arith.constant 304 : index
    %swap3A_166 = tpu.vector_load %arg9[%swap3A_165] {strides = array<i32>} : memref<512xf32, #tpu.memory_space<vmem>>, vector<16xf32>,
    %swap3A_167 = vector.shape_cast %swap3A_166 : vector<16xf32> to vector<16xf32>
    %swap3A_168 = vector.shape_cast %broadcast_in_dim3A_164 : vector<16xf32> to vector<16xf32>
    tpu.vector_store %arg9[%swap3A_165], %swap3A_168 {strides = array<i32>} : memref<512xf32, #tpu.memory_space<vmem>>, vector<16xf32>,
    %broadcast_in_dim3A_169 = arith.constant 0.000000e+00 : f32
    %broadcast_in_dim3A_170 = vector.broadcast %broadcast_in_dim3A_169 : f32 to vector<16xf32>
    %swap3A_171 = arith.constant 320 : index
    %swap3A_172 = tpu.vector_load %arg9[%swap3A_171] {strides = array<i32>} : memref<512xf32, #tpu.memory_space<vmem>>, vector<16xf32>,
    %swap3A_173 = vector.shape_cast %swap3A_172 : vector<16xf32> to vector<16xf32>
    %swap3A_174 = vector.shape_cast %broadcast_in_dim3A_170 : vector<16xf32> to vector<16xf32>
    tpu.vector_store %arg9[%swap3A_171], %swap3A_174 {strides = array<i32>} : memref<512xf32, #tpu.memory_space<vmem>>, vector<16xf32>,
    %broadcast_in_dim3A_175 = arith.constant 0.000000e+00 : f32
    %broadcast_in_dim3A_176 = vector.broadcast %broadcast_in_dim3A_175 : f32 to vector<16xf32>
    %swap3A_177 = arith.constant 336 : index
    %swap3A_178 = tpu.vector_load %arg9[%swap3A_177] {strides = array<i32>} : memref<512xf32, #tpu.memory_space<vmem>>, vector<16xf32>,
    %swap3A_179 = vector.shape_cast %swap3A_178 : vector<16xf32> to vector<16xf32>
    %swap3A_180 = vector.shape_cast %broadcast_in_dim3A_176 : vector<16xf32> to vector<16xf32>
    tpu.vector_store %arg9[%swap3A_177], %swap3A_180 {strides = array<i32>} : memref<512xf32, #tpu.memory_space<vmem>>, vector<16xf32>,
    %broadcast_in_dim3A_181 = arith.constant 0.000000e+00 : f32
    %broadcast_in_dim3A_182 = vector.broadcast %broadcast_in_dim3A_181 : f32 to vector<16xf32>
    %swap3A_183 = arith.constant 352 : index
    %swap3A_184 = tpu.vector_load %arg9[%swap3A_183] {strides = array<i32>} : memref<512xf32, #tpu.memory_space<vmem>>, vector<16xf32>,
    %swap3A_185 = vector.shape_cast %swap3A_184 : vector<16xf32> to vector<16xf32>
    %swap3A_186 = vector.shape_cast %broadcast_in_dim3A_182 : vector<16xf32> to vector<16xf32>
    tpu.vector_store %arg9[%swap3A_183], %swap3A_186 {strides = array<i32>} : memref<512xf32, #tpu.memory_space<vmem>>, vector<16xf32>,
    %broadcast_in_dim3A_187 = arith.constant 0.000000e+00 : f32
    %broadcast_in_dim3A_188 = vector.broadcast %broadcast_in_dim3A_187 : f32 to vector<16xf32>
    %swap3A_189 = arith.constant 368 : index
    %swap3A_190 = tpu.vector_load %arg9[%swap3A_189] {strides = array<i32>} : memref<512xf32, #tpu.memory_space<vmem>>, vector<16xf32>,
    %swap3A_191 = vector.shape_cast %swap3A_190 : vector<16xf32> to vector<16xf32>
    %swap3A_192 = vector.shape_cast %broadcast_in_dim3A_188 : vector<16xf32> to vector<16xf32>
    tpu.vector_store %arg9[%swap3A_189], %swap3A_192 {strides = array<i32>} : memref<512xf32, #tpu.memory_space<vmem>>, vector<16xf32>,
    %broadcast_in_dim3A_193 = arith.constant 0.000000e+00 : f32
    %broadcast_in_dim3A_194 = vector.broadcast %broadcast_in_dim3A_193 : f32 to vector<16xf32>
    %swap3A_195 = arith.constant 384 : index
    %swap3A_196 = tpu.vector_load %arg9[%swap3A_195] {strides = array<i32>} : memref<512xf32, #tpu.memory_space<vmem>>, vector<16xf32>,
    %swap3A_197 = vector.shape_cast %swap3A_196 : vector<16xf32> to vector<16xf32>
    %swap3A_198 = vector.shape_cast %broadcast_in_dim3A_194 : vector<16xf32> to vector<16xf32>
    tpu.vector_store %arg9[%swap3A_195], %swap3A_198 {strides = array<i32>} : memref<512xf32, #tpu.memory_space<vmem>>, vector<16xf32>,
    %broadcast_in_dim3A_199 = arith.constant 0.000000e+00 : f32
    %broadcast_in_dim3A_200 = vector.broadcast %broadcast_in_dim3A_199 : f32 to vector<16xf32>
    %swap3A_201 = arith.constant 400 : index
    %swap3A_202 = tpu.vector_load %arg9[%swap3A_201] {strides = array<i32>} : memref<512xf32, #tpu.memory_space<vmem>>, vector<16xf32>,
    %swap3A_203 = vector.shape_cast %swap3A_202 : vector<16xf32> to vector<16xf32>
    %swap3A_204 = vector.shape_cast %broadcast_in_dim3A_200 : vector<16xf32> to vector<16xf32>
    tpu.vector_store %arg9[%swap3A_201], %swap3A_204 {strides = array<i32>} : memref<512xf32, #tpu.memory_space<vmem>>, vector<16xf32>,
    %broadcast_in_dim3A_205 = arith.constant 0.000000e+00 : f32
    %broadcast_in_dim3A_206 = vector.broadcast %broadcast_in_dim3A_205 : f32 to vector<16xf32>
    %swap3A_207 = arith.constant 416 : index
    %swap3A_208 = tpu.vector_load %arg9[%swap3A_207] {strides = array<i32>} : memref<512xf32, #tpu.memory_space<vmem>>, vector<16xf32>,
    %swap3A_209 = vector.shape_cast %swap3A_208 : vector<16xf32> to vector<16xf32>
    %swap3A_210 = vector.shape_cast %broadcast_in_dim3A_206 : vector<16xf32> to vector<16xf32>
    tpu.vector_store %arg9[%swap3A_207], %swap3A_210 {strides = array<i32>} : memref<512xf32, #tpu.memory_space<vmem>>, vector<16xf32>,
    %broadcast_in_dim3A_211 = arith.constant 0.000000e+00 : f32
    %broadcast_in_dim3A_212 = vector.broadcast %broadcast_in_dim3A_211 : f32 to vector<16xf32>
    %swap3A_213 = arith.constant 432 : index
    %swap3A_214 = tpu.vector_load %arg9[%swap3A_213] {strides = array<i32>} : memref<512xf32, #tpu.memory_space<vmem>>, vector<16xf32>,
    %swap3A_215 = vector.shape_cast %swap3A_214 : vector<16xf32> to vector<16xf32>
    %swap3A_216 = vector.shape_cast %broadcast_in_dim3A_212 : vector<16xf32> to vector<16xf32>
    tpu.vector_store %arg9[%swap3A_213], %swap3A_216 {strides = array<i32>} : memref<512xf32, #tpu.memory_space<vmem>>, vector<16xf32>,
    %broadcast_in_dim3A_217 = arith.constant 0.000000e+00 : f32
    %broadcast_in_dim3A_218 = vector.broadcast %broadcast_in_dim3A_217 : f32 to vector<16xf32>
    %swap3A_219 = arith.constant 448 : index
    %swap3A_220 = tpu.vector_load %arg9[%swap3A_219] {strides = array<i32>} : memref<512xf32, #tpu.memory_space<vmem>>, vector<16xf32>,
    %swap3A_221 = vector.shape_cast %swap3A_220 : vector<16xf32> to vector<16xf32>
    %swap3A_222 = vector.shape_cast %broadcast_in_dim3A_218 : vector<16xf32> to vector<16xf32>
    tpu.vector_store %arg9[%swap3A_219], %swap3A_222 {strides = array<i32>} : memref<512xf32, #tpu.memory_space<vmem>>, vector<16xf32>,
    %broadcast_in_dim3A_223 = arith.constant 0.000000e+00 : f32
    %broadcast_in_dim3A_224 = vector.broadcast %broadcast_in_dim3A_223 : f32 to vector<16xf32>
    %swap3A_225 = arith.constant 464 : index
    %swap3A_226 = tpu.vector_load %arg9[%swap3A_225] {strides = array<i32>} : memref<512xf32, #tpu.memory_space<vmem>>, vector<16xf32>,
    %swap3A_227 = vector.shape_cast %swap3A_226 : vector<16xf32> to vector<16xf32>
    %swap3A_228 = vector.shape_cast %broadcast_in_dim3A_224 : vector<16xf32> to vector<16xf32>
    tpu.vector_store %arg9[%swap3A_225], %swap3A_228 {strides = array<i32>} : memref<512xf32, #tpu.memory_space<vmem>>, vector<16xf32>,
    %broadcast_in_dim3A_229 = arith.constant 0.000000e+00 : f32
    %broadcast_in_dim3A_230 = vector.broadcast %broadcast_in_dim3A_229 : f32 to vector<16xf32>
    %swap3A_231 = arith.constant 480 : index
    %swap3A_232 = tpu.vector_load %arg9[%swap3A_231] {strides = array<i32>} : memref<512xf32, #tpu.memory_space<vmem>>, vector<16xf32>,
    %swap3A_233 = vector.shape_cast %swap3A_232 : vector<16xf32> to vector<16xf32>
    %swap3A_234 = vector.shape_cast %broadcast_in_dim3A_230 : vector<16xf32> to vector<16xf32>
    tpu.vector_store %arg9[%swap3A_231], %swap3A_234 {strides = array<i32>} : memref<512xf32, #tpu.memory_space<vmem>>, vector<16xf32>,
    %broadcast_in_dim3A_235 = arith.constant 0.000000e+00 : f32
    %broadcast_in_dim3A_236 = vector.broadcast %broadcast_in_dim3A_235 : f32 to vector<16xf32>
    %swap3A_237 = arith.constant 496 : index
    %swap3A_238 = tpu.vector_load %arg9[%swap3A_237] {strides = array<i32>} : memref<512xf32, #tpu.memory_space<vmem>>, vector<16xf32>,
    %swap3A_239 = vector.shape_cast %swap3A_238 : vector<16xf32> to vector<16xf32>
    %swap3A_240 = vector.shape_cast %broadcast_in_dim3A_236 : vector<16xf32> to vector<16xf32>
    tpu.vector_store %arg9[%swap3A_237], %swap3A_240 {strides = array<i32>} : memref<512xf32, #tpu.memory_space<vmem>>, vector<16xf32>,
    %mul3A_241 = arith.constant 512 : i32
    %mul3A_242 = arith.muli %arg1, %mul3A_241 : i32
    "tpu.region"() ({
      %run_scoped3A_285 = tpu.sem_alloc : memref<!tpu.dma_semaphore, #tpu.memory_space<semaphore_mem>>
      %dma_start3A_286 = tpu.memref_slice %arg10[%mul3A_242] : memref<8192xf32, #tpu.memory_space<vmem_shared>> -> memref<512xf32, #tpu.memory_space<vmem_shared>>
      %dma_start3A_287 = tpu.memref_slice %arg10[%mul3A_242] : memref<8192xf32, #tpu.memory_space<vmem_shared>> -> memref<512xf32, #tpu.memory_space<vmem_shared>>
      tpu.enqueue_dma source(%arg9 : memref<512xf32, #tpu.memory_space<vmem>>) target(%dma_start3A_287 : memref<512xf32, #tpu.memory_space<vmem_shared>>) target_semaphore(%run_scoped3A_285 : memref<!tpu.dma_semaphore, #tpu.memory_space<semaphore_mem>>)
      %dma_wait3A_288 = tpu.memref_slice %arg10[%mul3A_242] : memref<8192xf32, #tpu.memory_space<vmem_shared>> -> memref<512xf32, #tpu.memory_space<vmem_shared>>
      %dma_wait3A_289 = tpu.memref_slice %arg10[%mul3A_242] : memref<8192xf32, #tpu.memory_space<vmem_shared>> -> memref<512xf32, #tpu.memory_space<vmem_shared>>
      tpu.wait_dma2 semaphore(%run_scoped3A_285 : memref<!tpu.dma_semaphore, #tpu.memory_space<semaphore_mem>>) src(%arg9 : memref<512xf32, #tpu.memory_space<vmem>>) dst(%dma_wait3A_289 : memref<512xf32, #tpu.memory_space<vmem_shared>>)
      tpu.yield
    }) : () -> ()
    %barrier3A = arith.constant 0 : index
    tpu.barrier barrier_id(%barrier3A)
    %dma_start3A = arith.constant 0 : i32
    %dma_start3A_243 = arith.constant 0 : i32
    %dma_start3A_244 = arith.constant 0 : i32
    %dma_start3A_245 = tpu.memref_slice %arg7[%dma_start3A_243, %dma_start3A_244] : memref<256x256xf32, #tpu.memory_space<vmem>> -> memref<128x256xf32, #tpu.memory_space<vmem>>
    %dma_start3A_246 = arith.constant 0 : i32
    %dma_start3A_247 = tpu.memref_slice %arg6[%dma_start3A, %dma_start3A_246] : memref<2x128xi32, #tpu.memory_space<vmem>> -> memref<1x128xi32, #tpu.memory_space<vmem>>
    %dma_start3A_248 = tpu.memref_squeeze %dma_start3A_247 : memref<1x128xi32, #tpu.memory_space<vmem>> -> memref<128xi32, #tpu.memory_space<vmem>>
    %dma_start3A_249 = arith.constant 0 : i32
    %dma_start3A_250 = arith.constant 0 : i32
    %dma_start3A_251 = tpu.memref_slice %arg2[%dma_start3A_249, %dma_start3A_250] : memref<8192x256xf32, #tpu.memory_space<hbm>> -> memref<8192x256xf32, #tpu.memory_space<hbm>>
    tpu.enqueue_indirect_dma source(%dma_start3A_251 : memref<8192x256xf32, #tpu.memory_space<hbm>>) target(%dma_start3A_245 : memref<128x256xf32, #tpu.memory_space<vmem>>) offsets(%dma_start3A_248 : memref<128xi32, #tpu.memory_space<vmem>>) semaphore(%arg11 : memref<!tpu.dma_semaphore, #tpu.memory_space<semaphore_mem>>)
    %dma_wait3A = arith.constant 0 : i32
    %dma_wait3A_252 = arith.constant 0 : i32
    %dma_wait3A_253 = arith.constant 0 : i32
    %dma_wait3A_254 = tpu.memref_slice %arg7[%dma_wait3A_252, %dma_wait3A_253] : memref<256x256xf32, #tpu.memory_space<vmem>> -> memref<128x256xf32, #tpu.memory_space<vmem>>
    %dma_wait3A_255 = arith.constant 0 : i32
    %dma_wait3A_256 = tpu.memref_slice %arg6[%dma_wait3A, %dma_wait3A_255] : memref<2x128xi32, #tpu.memory_space<vmem>> -> memref<1x128xi32, #tpu.memory_space<vmem>>
    %dma_wait3A_257 = tpu.memref_squeeze %dma_wait3A_256 : memref<1x128xi32, #tpu.memory_space<vmem>> -> memref<128xi32, #tpu.memory_space<vmem>>
    %dma_wait3A_258 = arith.constant 0 : i32
    %dma_wait3A_259 = arith.constant 0 : i32
    %dma_wait3A_260 = tpu.memref_slice %arg2[%dma_wait3A_258, %dma_wait3A_259] : memref<8192x256xf32, #tpu.memory_space<hbm>> -> memref<8192x256xf32, #tpu.memory_space<hbm>>
    tpu.wait_indirect_dma semaphore(%arg11 : memref<!tpu.dma_semaphore, #tpu.memory_space<semaphore_mem>>) src(%dma_wait3A_260 : memref<8192x256xf32, #tpu.memory_space<hbm>>) dst(%dma_wait3A_254 : memref<128x256xf32, #tpu.memory_space<vmem>>)
    %dma_start3A_261 = arith.constant 1 : i32
    %dma_start3A_262 = arith.constant 128 : i32
    %dma_start3A_263 = arith.constant 0 : i32
    %dma_start3A_264 = tpu.memref_slice %arg7[%dma_start3A_262, %dma_start3A_263] : memref<256x256xf32, #tpu.memory_space<vmem>> -> memref<128x256xf32, #tpu.memory_space<vmem>>
    %dma_start3A_265 = arith.constant 0 : i32
    %dma_start3A_266 = tpu.memref_slice %arg6[%dma_start3A_261, %dma_start3A_265] : memref<2x128xi32, #tpu.memory_space<vmem>> -> memref<1x128xi32, #tpu.memory_space<vmem>>
    %dma_start3A_267 = tpu.memref_squeeze %dma_start3A_266 : memref<1x128xi32, #tpu.memory_space<vmem>> -> memref<128xi32, #tpu.memory_space<vmem>>
    %dma_start3A_268 = arith.constant 0 : i32
    %dma_start3A_269 = arith.constant 0 : i32
    %dma_start3A_270 = tpu.memref_slice %arg2[%dma_start3A_268, %dma_start3A_269] : memref<8192x256xf32, #tpu.memory_space<hbm>> -> memref<8192x256xf32, #tpu.memory_space<hbm>>
    tpu.enqueue_indirect_dma source(%dma_start3A_270 : memref<8192x256xf32, #tpu.memory_space<hbm>>) target(%dma_start3A_264 : memref<128x256xf32, #tpu.memory_space<vmem>>) offsets(%dma_start3A_267 : memref<128xi32, #tpu.memory_space<vmem>>) semaphore(%arg11 : memref<!tpu.dma_semaphore, #tpu.memory_space<semaphore_mem>>)
    %dma_wait3A_271 = arith.constant 1 : i32
    %dma_wait3A_272 = arith.constant 128 : i32
    %dma_wait3A_273 = arith.constant 0 : i32
    %dma_wait3A_274 = tpu.memref_slice %arg7[%dma_wait3A_272, %dma_wait3A_273] : memref<256x256xf32, #tpu.memory_space<vmem>> -> memref<128x256xf32, #tpu.memory_space<vmem>>
    %dma_wait3A_275 = arith.constant 0 : i32
    %dma_wait3A_276 = tpu.memref_slice %arg6[%dma_wait3A_271, %dma_wait3A_275] : memref<2x128xi32, #tpu.memory_space<vmem>> -> memref<1x128xi32, #tpu.memory_space<vmem>>
    %dma_wait3A_277 = tpu.memref_squeeze %dma_wait3A_276 : memref<1x128xi32, #tpu.memory_space<vmem>> -> memref<128xi32, #tpu.memory_space<vmem>>
    %dma_wait3A_278 = arith.constant 0 : i32
    %dma_wait3A_279 = arith.constant 0 : i32
    %dma_wait3A_280 = tpu.memref_slice %arg2[%dma_wait3A_278, %dma_wait3A_279] : memref<8192x256xf32, #tpu.memory_space<hbm>> -> memref<8192x256xf32, #tpu.memory_space<hbm>>
    tpu.wait_indirect_dma semaphore(%arg11 : memref<!tpu.dma_semaphore, #tpu.memory_space<semaphore_mem>>) src(%dma_wait3A_280 : memref<8192x256xf32, #tpu.memory_space<hbm>>) dst(%dma_wait3A_274 : memref<128x256xf32, #tpu.memory_space<vmem>>)
    "tpu.region"() ({
      %run_scoped3A_285 = tpu.sem_alloc : memref<!tpu.dma_semaphore, #tpu.memory_space<semaphore_mem>>
      %dma_start3A_286 = arith.constant 0 : i32
      %dma_start3A_287 = tpu.memref_slice %arg4[%mul3A_2, %dma_start3A_286] : memref<8192x256xf32, #tpu.memory_space<hbm>> -> memref<256x256xf32, #tpu.memory_space<hbm>>
      %dma_start3A_288 = arith.constant 0 : i32
      %dma_start3A_289 = tpu.memref_slice %arg4[%mul3A_2, %dma_start3A_288] : memref<8192x256xf32, #tpu.memory_space<hbm>> -> memref<256x256xf32, #tpu.memory_space<hbm>>
      tpu.enqueue_dma source(%arg7 : memref<256x256xf32, #tpu.memory_space<vmem>>) target(%dma_start3A_289 : memref<256x256xf32, #tpu.memory_space<hbm>>) target_semaphore(%run_scoped3A_285 : memref<!tpu.dma_semaphore, #tpu.memory_space<semaphore_mem>>)
      %dma_wait3A_290 = arith.constant 0 : i32
      %dma_wait3A_291 = tpu.memref_slice %arg4[%mul3A_2, %dma_wait3A_290] : memref<8192x256xf32, #tpu.memory_space<hbm>> -> memref<256x256xf32, #tpu.memory_space<hbm>>
      %dma_wait3A_292 = arith.constant 0 : i32
      %dma_wait3A_293 = tpu.memref_slice %arg4[%mul3A_2, %dma_wait3A_292] : memref<8192x256xf32, #tpu.memory_space<hbm>> -> memref<256x256xf32, #tpu.memory_space<hbm>>
      tpu.wait_dma2 semaphore(%run_scoped3A_285 : memref<!tpu.dma_semaphore, #tpu.memory_space<semaphore_mem>>) src(%arg7 : memref<256x256xf32, #tpu.memory_space<vmem>>) dst(%dma_wait3A_293 : memref<256x256xf32, #tpu.memory_space<hbm>>)
      tpu.yield
    }) : () -> ()
    %run_scoped3A = arith.constant 0 : i32
    "tpu.region"() ({
      %run_scoped3A_285 = tpu.sem_alloc : memref<!tpu.dma_semaphore, #tpu.memory_space<semaphore_mem>>
      %dma_start3A_286 = arith.constant 0 : i32
      %dma_start3A_287 = tpu.memref_slice %arg6[%run_scoped3A, %dma_start3A_286] : memref<2x128xi32, #tpu.memory_space<vmem>> -> memref<1x128xi32, #tpu.memory_space<vmem>>
      %dma_start3A_288 = tpu.memref_squeeze %dma_start3A_287 : memref<1x128xi32, #tpu.memory_space<vmem>> -> memref<128xi32, #tpu.memory_space<vmem>>
      %dma_start3A_289 = arith.constant 0 : i32
      %dma_start3A_290 = tpu.memref_slice %arg10[%dma_start3A_289] : memref<8192xf32, #tpu.memory_space<vmem_shared>> -> memref<8192xf32, #tpu.memory_space<vmem_shared>>
      tpu.enqueue_indirect_dma source(%arg8 : memref<128xf32, #tpu.memory_space<vmem>>) target(%dma_start3A_290 : memref<8192xf32, #tpu.memory_space<vmem_shared>>) offsets(%dma_start3A_288 : memref<128xi32, #tpu.memory_space<vmem>>) semaphore(%run_scoped3A_285 : memref<!tpu.dma_semaphore, #tpu.memory_space<semaphore_mem>>) {add = true}
      %dma_wait3A_291 = arith.constant 0 : i32
      %dma_wait3A_292 = tpu.memref_slice %arg6[%run_scoped3A, %dma_wait3A_291] : memref<2x128xi32, #tpu.memory_space<vmem>> -> memref<1x128xi32, #tpu.memory_space<vmem>>
      %dma_wait3A_293 = tpu.memref_squeeze %dma_wait3A_292 : memref<1x128xi32, #tpu.memory_space<vmem>> -> memref<128xi32, #tpu.memory_space<vmem>>
      %dma_wait3A_294 = arith.constant 0 : i32
      %dma_wait3A_295 = tpu.memref_slice %arg10[%dma_wait3A_294] : memref<8192xf32, #tpu.memory_space<vmem_shared>> -> memref<8192xf32, #tpu.memory_space<vmem_shared>>
      tpu.wait_indirect_dma semaphore(%run_scoped3A_285 : memref<!tpu.dma_semaphore, #tpu.memory_space<semaphore_mem>>) src(%arg8 : memref<128xf32, #tpu.memory_space<vmem>>) dst(%dma_wait3A_295 : memref<8192xf32, #tpu.memory_space<vmem_shared>>)
      tpu.yield
    }) : () -> ()
    %run_scoped3A_281 = arith.constant 1 : i32
    "tpu.region"() ({
      %run_scoped3A_285 = tpu.sem_alloc : memref<!tpu.dma_semaphore, #tpu.memory_space<semaphore_mem>>
      %dma_start3A_286 = arith.constant 0 : i32
      %dma_start3A_287 = tpu.memref_slice %arg6[%run_scoped3A_281, %dma_start3A_286] : memref<2x128xi32, #tpu.memory_space<vmem>> -> memref<1x128xi32, #tpu.memory_space<vmem>>
      %dma_start3A_288 = tpu.memref_squeeze %dma_start3A_287 : memref<1x128xi32, #tpu.memory_space<vmem>> -> memref<128xi32, #tpu.memory_space<vmem>>
      %dma_start3A_289 = arith.constant 0 : i32
      %dma_start3A_290 = tpu.memref_slice %arg10[%dma_start3A_289] : memref<8192xf32, #tpu.memory_space<vmem_shared>> -> memref<8192xf32, #tpu.memory_space<vmem_shared>>
      tpu.enqueue_indirect_dma source(%arg8 : memref<128xf32, #tpu.memory_space<vmem>>) target(%dma_start3A_290 : memref<8192xf32, #tpu.memory_space<vmem_shared>>) offsets(%dma_start3A_288 : memref<128xi32, #tpu.memory_space<vmem>>) semaphore(%run_scoped3A_285 : memref<!tpu.dma_semaphore, #tpu.memory_space<semaphore_mem>>) {add = true}
      %dma_wait3A_291 = arith.constant 0 : i32
      %dma_wait3A_292 = tpu.memref_slice %arg6[%run_scoped3A_281, %dma_wait3A_291] : memref<2x128xi32, #tpu.memory_space<vmem>> -> memref<1x128xi32, #tpu.memory_space<vmem>>
      %dma_wait3A_293 = tpu.memref_squeeze %dma_wait3A_292 : memref<1x128xi32, #tpu.memory_space<vmem>> -> memref<128xi32, #tpu.memory_space<vmem>>
      %dma_wait3A_294 = arith.constant 0 : i32
      %dma_wait3A_295 = tpu.memref_slice %arg10[%dma_wait3A_294] : memref<8192xf32, #tpu.memory_space<vmem_shared>> -> memref<8192xf32, #tpu.memory_space<vmem_shared>>
      tpu.wait_indirect_dma semaphore(%run_scoped3A_285 : memref<!tpu.dma_semaphore, #tpu.memory_space<semaphore_mem>>) src(%arg8 : memref<128xf32, #tpu.memory_space<vmem>>) dst(%dma_wait3A_295 : memref<8192xf32, #tpu.memory_space<vmem_shared>>)
      tpu.yield
    }) : () -> ()
    %barrier3A_282 = arith.constant 0 : index
    tpu.barrier barrier_id(%barrier3A_282)
    %eq3A = arith.constant 0 : i32
    %eq3A_283 = arith.cmpi eq, %arg1, %eq3A : i32
    %convert_element_type3A = arith.extui %eq3A_283 : i1 to i32
    %cond3A = arith.constant 0 : i32
    %cond3A_284 = arith.cmpi ne, %convert_element_type3A, %cond3A : i32
    scf.if %cond3A_284 {
      "tpu.region"() ({
        %run_scoped3A_285 = tpu.sem_alloc : memref<!tpu.dma_semaphore, #tpu.memory_space<semaphore_mem>>
        %dma_start3A_286 = arith.constant 0 : i32
        %dma_start3A_287 = tpu.memref_slice %arg5[%arg0, %dma_start3A_286] : memref<2x8192xf32, #tpu.memory_space<hbm>> -> memref<1x8192xf32, #tpu.memory_space<hbm>>
        %dma_start3A_288 = tpu.memref_squeeze %dma_start3A_287 : memref<1x8192xf32, #tpu.memory_space<hbm>> -> memref<8192xf32, #tpu.memory_space<hbm>>
        tpu.enqueue_dma source(%arg10 : memref<8192xf32, #tpu.memory_space<vmem_shared>>) target(%dma_start3A_288 : memref<8192xf32, #tpu.memory_space<hbm>>) target_semaphore(%run_scoped3A_285 : memref<!tpu.dma_semaphore, #tpu.memory_space<semaphore_mem>>)
        %dma_wait3A_289 = arith.constant 0 : i32
        %dma_wait3A_290 = tpu.memref_slice %arg5[%arg0, %dma_wait3A_289] : memref<2x8192xf32, #tpu.memory_space<hbm>> -> memref<1x8192xf32, #tpu.memory_space<hbm>>
        %dma_wait3A_291 = tpu.memref_squeeze %dma_wait3A_290 : memref<1x8192xf32, #tpu.memory_space<hbm>> -> memref<8192xf32, #tpu.memory_space<hbm>>
        tpu.wait_dma2 semaphore(%run_scoped3A_285 : memref<!tpu.dma_semaphore, #tpu.memory_space<semaphore_mem>>) src(%arg10 : memref<8192xf32, #tpu.memory_space<vmem_shared>>) dst(%dma_wait3A_291 : memref<8192xf32, #tpu.memory_space<hbm>>)
        tpu.yield
      }) : () -> ()
    } else {
    }
    return
  }
}

module attributes {stable_mosaic.version = 14 : i64} {
  func.func @_argmin_body(%arg0: i32, %arg1: memref<1024x1xf32, #tpu.memory_space<vmem>>, %arg2: memref<1x8192xf32, #tpu.memory_space<vmem>>, %arg3: memref<1x8192xf32, #tpu.memory_space<vmem>>, %arg4: memref<1024x256xf32, #tpu.memory_space<vmem>>, %arg5: memref<8192x256xf32, #tpu.memory_space<any>>, %arg6: memref<1024x1xi32, #tpu.memory_space<vmem>>, %arg7: memref<1024x1xf32, #tpu.memory_space<vmem>>, %arg8: memref<8192x256xf32, #tpu.memory_space<vmem>>, %arg9: memref<!tpu.dma_semaphore, #tpu.memory_space<semaphore_mem>>) attributes {dimension_semantics = [#tpu.dimension_semantics<arbitrary>], iteration_bounds = array<i64: 8>, scalar_prefetch = 0 : i64, scratch_operands = 2 : i64, tpu.core_type = #tpu.core_type<tc>, window_params = [{transform_indices = @transform_0, window_bounds = array<i64: 1024, 1>}, {pipeline_mode = #tpu.pipeline_mode<synchronous>, transform_indices = @transform_1, window_bounds = array<i64: 1, 8192>}, {pipeline_mode = #tpu.pipeline_mode<synchronous>, transform_indices = @transform_2, window_bounds = array<i64: 1, 8192>}, {transform_indices = @transform_3, window_bounds = array<i64: 1024, 256>}, {}, {transform_indices = @transform_5, window_bounds = array<i64: 1024, 1>}, {transform_indices = @transform_6, window_bounds = array<i64: 1024, 1>}]} {
    %eq3A = arith.constant 0 : i32
    %eq3A_0 = arith.cmpi eq, %arg0, %eq3A : i32
    %convert_element_type3A = arith.extui %eq3A_0 : i1 to i32
    %cond3A = arith.constant 0 : i32
    %cond3A_1 = arith.cmpi ne, %convert_element_type3A, %cond3A : i32
    scf.if %cond3A_1 {
      tpu.enqueue_dma source(%arg5 : memref<8192x256xf32, #tpu.memory_space<any>>) target(%arg8 : memref<8192x256xf32, #tpu.memory_space<vmem>>) target_semaphore(%arg9 : memref<!tpu.dma_semaphore, #tpu.memory_space<semaphore_mem>>)
      tpu.wait_dma2 semaphore(%arg9 : memref<!tpu.dma_semaphore, #tpu.memory_space<semaphore_mem>>) src(%arg5 : memref<8192x256xf32, #tpu.memory_space<any>>) dst(%arg8 : memref<8192x256xf32, #tpu.memory_space<vmem>>)
    } else {
    }
    %get3A = arith.constant 0 : index
    %get3A_2 = arith.constant 0 : index
    %get3A_3 = vector.load %arg1[%get3A, %get3A_2] : memref<1024x1xf32, #tpu.memory_space<vmem>>, vector<1024x1xf32>
    %get3A_4 = arith.constant 0 : index
    %get3A_5 = arith.constant 0 : index
    %get3A_6 = vector.load %arg4[%get3A_4, %get3A_5] : memref<1024x256xf32, #tpu.memory_space<vmem>>, vector<1024x256xf32>
    %mul3A = arith.constant 2.000000e+00 : f32
    %mul3A_7 = vector.broadcast %mul3A : f32 to vector<1024x256xf32>
    %mul3A_8 = arith.mulf %get3A_6, %mul3A_7 : vector<1024x256xf32>
    %get3A_9 = arith.constant 0 : index
    %get3A_10 = arith.constant 0 : index
    %get3A_11 = vector.load %arg8[%get3A_9, %get3A_10] : memref<8192x256xf32, #tpu.memory_space<vmem>>, vector<2048x256xf32>
    %dot_general3A = arith.constant dense<0.000000e+00> : vector<1024x2048xf32>
    %dot_general3A_12 = tpu.matmul %mul3A_8, %get3A_11, %dot_general3A {dimension_numbers = #tpu.dot_dimension_numbers<[1], [1], [0], [0], [0, 0, 1, 0], [], []>, transpose_lhs_hint = false} : vector<1024x256xf32>, vector<2048x256xf32>, vector<1024x2048xf32> -> vector<1024x2048xf32>
    %get3A_13 = arith.constant 0 : index
    %get3A_14 = arith.constant 0 : index
    %get3A_15 = vector.load %arg2[%get3A_13, %get3A_14] : memref<1x8192xf32, #tpu.memory_space<vmem>>, vector<1x2048xf32>
    %add3A = vector.broadcast %get3A_3 : vector<1024x1xf32> to vector<1024x2048xf32>
    %add3A_16 = vector.broadcast %get3A_15 : vector<1x2048xf32> to vector<1024x2048xf32>
    %add3A_17 = arith.addf %add3A, %add3A_16 : vector<1024x2048xf32>
    %sub3A = arith.subf %add3A_17, %dot_general3A_12 : vector<1024x2048xf32>
    %reduce_min3A = arith.constant dense<0x7F800000> : vector<1024xf32>
    %reduce_min3A_18 = vector.multi_reduction <minimumf>, %sub3A, %reduce_min3A [1] : vector<1024x2048xf32> to vector<1024xf32>
    %broadcast_in_dim3A = vector.shape_cast %reduce_min3A_18 : vector<1024xf32> to vector<1024x1xf32>
    %get3A_19 = arith.constant 0 : index
    %get3A_20 = arith.constant 0 : index
    %get3A_21 = vector.load %arg2[%get3A_19, %get3A_20] : memref<1x8192xf32, #tpu.memory_space<vmem>>, vector<1x2048xf32>
    %add3A_22 = vector.broadcast %get3A_3 : vector<1024x1xf32> to vector<1024x2048xf32>
    %add3A_23 = vector.broadcast %get3A_21 : vector<1x2048xf32> to vector<1024x2048xf32>
    %add3A_24 = arith.addf %add3A_22, %add3A_23 : vector<1024x2048xf32>
    %mul3A_25 = arith.constant 1.000000e+00 : f32
    %mul3A_26 = vector.broadcast %mul3A_25 : f32 to vector<1024x2048xf32>
    %mul3A_27 = arith.mulf %dot_general3A_12, %mul3A_26 : vector<1024x2048xf32>
    %sub3A_28 = arith.subf %add3A_24, %mul3A_27 : vector<1024x2048xf32>
    %eq3A_29 = vector.broadcast %broadcast_in_dim3A : vector<1024x1xf32> to vector<1024x2048xf32>
    %eq3A_30 = arith.cmpf oeq, %sub3A_28, %eq3A_29 : vector<1024x2048xf32>
    %get3A_31 = arith.constant 0 : index
    %get3A_32 = arith.constant 0 : index
    %get3A_33 = vector.load %arg3[%get3A_31, %get3A_32] : memref<1x8192xf32, #tpu.memory_space<vmem>>, vector<1x2048xf32>
    %jit3A = arith.constant 1.07374182E+9 : f32
    %broadcast_in_dim3A_34 = vector.shape_cast %get3A_33 : vector<1x2048xf32> to vector<1x2048xf32>
    %broadcast_in_dim3A_35 = vector.broadcast %broadcast_in_dim3A_34 : vector<1x2048xf32> to vector<1024x2048xf32>
    %broadcast_in_dim3A_36 = vector.broadcast %jit3A : f32 to vector<1024x2048xf32>
    %select_n3A = arith.select %eq3A_30, %broadcast_in_dim3A_35, %broadcast_in_dim3A_36 : vector<1024x2048xi1>, vector<1024x2048xf32>
    %reduce_min3A_37 = arith.constant dense<0x7F800000> : vector<1024xf32>
    %reduce_min3A_38 = vector.multi_reduction <minimumf>, %select_n3A, %reduce_min3A_37 [1] : vector<1024x2048xf32> to vector<1024xf32>
    %broadcast_in_dim3A_39 = vector.shape_cast %reduce_min3A_38 : vector<1024xf32> to vector<1024x1xf32>
    %get3A_40 = arith.constant 2048 : index
    %get3A_41 = arith.constant 0 : index
    %get3A_42 = vector.load %arg8[%get3A_40, %get3A_41] : memref<8192x256xf32, #tpu.memory_space<vmem>>, vector<2048x256xf32>
    %dot_general3A_43 = arith.constant dense<0.000000e+00> : vector<1024x2048xf32>
    %dot_general3A_44 = tpu.matmul %mul3A_8, %get3A_42, %dot_general3A_43 {dimension_numbers = #tpu.dot_dimension_numbers<[1], [1], [0], [0], [0, 0, 1, 0], [], []>, transpose_lhs_hint = false} : vector<1024x256xf32>, vector<2048x256xf32>, vector<1024x2048xf32> -> vector<1024x2048xf32>
    %get3A_45 = arith.constant 0 : index
    %get3A_46 = arith.constant 2048 : index
    %get3A_47 = vector.load %arg2[%get3A_45, %get3A_46] : memref<1x8192xf32, #tpu.memory_space<vmem>>, vector<1x2048xf32>
    %add3A_48 = vector.broadcast %get3A_3 : vector<1024x1xf32> to vector<1024x2048xf32>
    %add3A_49 = vector.broadcast %get3A_47 : vector<1x2048xf32> to vector<1024x2048xf32>
    %add3A_50 = arith.addf %add3A_48, %add3A_49 : vector<1024x2048xf32>
    %sub3A_51 = arith.subf %add3A_50, %dot_general3A_44 : vector<1024x2048xf32>
    %reduce_min3A_52 = arith.constant dense<0x7F800000> : vector<1024xf32>
    %reduce_min3A_53 = vector.multi_reduction <minimumf>, %sub3A_51, %reduce_min3A_52 [1] : vector<1024x2048xf32> to vector<1024xf32>
    %broadcast_in_dim3A_54 = vector.shape_cast %reduce_min3A_53 : vector<1024xf32> to vector<1024x1xf32>
    %get3A_55 = arith.constant 0 : index
    %get3A_56 = arith.constant 2048 : index
    %get3A_57 = vector.load %arg2[%get3A_55, %get3A_56] : memref<1x8192xf32, #tpu.memory_space<vmem>>, vector<1x2048xf32>
    %add3A_58 = vector.broadcast %get3A_3 : vector<1024x1xf32> to vector<1024x2048xf32>
    %add3A_59 = vector.broadcast %get3A_57 : vector<1x2048xf32> to vector<1024x2048xf32>
    %add3A_60 = arith.addf %add3A_58, %add3A_59 : vector<1024x2048xf32>
    %mul3A_61 = arith.constant 1.000000e+00 : f32
    %mul3A_62 = vector.broadcast %mul3A_61 : f32 to vector<1024x2048xf32>
    %mul3A_63 = arith.mulf %dot_general3A_44, %mul3A_62 : vector<1024x2048xf32>
    %sub3A_64 = arith.subf %add3A_60, %mul3A_63 : vector<1024x2048xf32>
    %eq3A_65 = vector.broadcast %broadcast_in_dim3A_54 : vector<1024x1xf32> to vector<1024x2048xf32>
    %eq3A_66 = arith.cmpf oeq, %sub3A_64, %eq3A_65 : vector<1024x2048xf32>
    %get3A_67 = arith.constant 0 : index
    %get3A_68 = arith.constant 2048 : index
    %get3A_69 = vector.load %arg3[%get3A_67, %get3A_68] : memref<1x8192xf32, #tpu.memory_space<vmem>>, vector<1x2048xf32>
    %jit3A_70 = arith.constant 1.07374182E+9 : f32
    %broadcast_in_dim3A_71 = vector.shape_cast %get3A_69 : vector<1x2048xf32> to vector<1x2048xf32>
    %broadcast_in_dim3A_72 = vector.broadcast %broadcast_in_dim3A_71 : vector<1x2048xf32> to vector<1024x2048xf32>
    %broadcast_in_dim3A_73 = vector.broadcast %jit3A_70 : f32 to vector<1024x2048xf32>
    %select_n3A_74 = arith.select %eq3A_66, %broadcast_in_dim3A_72, %broadcast_in_dim3A_73 : vector<1024x2048xi1>, vector<1024x2048xf32>
    %reduce_min3A_75 = arith.constant dense<0x7F800000> : vector<1024xf32>
    %reduce_min3A_76 = vector.multi_reduction <minimumf>, %select_n3A_74, %reduce_min3A_75 [1] : vector<1024x2048xf32> to vector<1024xf32>
    %broadcast_in_dim3A_77 = vector.shape_cast %reduce_min3A_76 : vector<1024xf32> to vector<1024x1xf32>
    %lt3A = arith.cmpf olt, %broadcast_in_dim3A_54, %broadcast_in_dim3A : vector<1024x1xf32>
    %select_n3A_78 = arith.select %lt3A, %broadcast_in_dim3A_77, %broadcast_in_dim3A_39 : vector<1024x1xi1>, vector<1024x1xf32>
    %select_n3A_79 = arith.select %lt3A, %broadcast_in_dim3A_54, %broadcast_in_dim3A : vector<1024x1xi1>, vector<1024x1xf32>
    %get3A_80 = arith.constant 4096 : index
    %get3A_81 = arith.constant 0 : index
    %get3A_82 = vector.load %arg8[%get3A_80, %get3A_81] : memref<8192x256xf32, #tpu.memory_space<vmem>>, vector<2048x256xf32>
    %dot_general3A_83 = arith.constant dense<0.000000e+00> : vector<1024x2048xf32>
    %dot_general3A_84 = tpu.matmul %mul3A_8, %get3A_82, %dot_general3A_83 {dimension_numbers = #tpu.dot_dimension_numbers<[1], [1], [0], [0], [0, 0, 1, 0], [], []>, transpose_lhs_hint = false} : vector<1024x256xf32>, vector<2048x256xf32>, vector<1024x2048xf32> -> vector<1024x2048xf32>
    %get3A_85 = arith.constant 0 : index
    %get3A_86 = arith.constant 4096 : index
    %get3A_87 = vector.load %arg2[%get3A_85, %get3A_86] : memref<1x8192xf32, #tpu.memory_space<vmem>>, vector<1x2048xf32>
    %add3A_88 = vector.broadcast %get3A_3 : vector<1024x1xf32> to vector<1024x2048xf32>
    %add3A_89 = vector.broadcast %get3A_87 : vector<1x2048xf32> to vector<1024x2048xf32>
    %add3A_90 = arith.addf %add3A_88, %add3A_89 : vector<1024x2048xf32>
    %sub3A_91 = arith.subf %add3A_90, %dot_general3A_84 : vector<1024x2048xf32>
    %reduce_min3A_92 = arith.constant dense<0x7F800000> : vector<1024xf32>
    %reduce_min3A_93 = vector.multi_reduction <minimumf>, %sub3A_91, %reduce_min3A_92 [1] : vector<1024x2048xf32> to vector<1024xf32>
    %broadcast_in_dim3A_94 = vector.shape_cast %reduce_min3A_93 : vector<1024xf32> to vector<1024x1xf32>
    %get3A_95 = arith.constant 0 : index
    %get3A_96 = arith.constant 4096 : index
    %get3A_97 = vector.load %arg2[%get3A_95, %get3A_96] : memref<1x8192xf32, #tpu.memory_space<vmem>>, vector<1x2048xf32>
    %add3A_98 = vector.broadcast %get3A_3 : vector<1024x1xf32> to vector<1024x2048xf32>
    %add3A_99 = vector.broadcast %get3A_97 : vector<1x2048xf32> to vector<1024x2048xf32>
    %add3A_100 = arith.addf %add3A_98, %add3A_99 : vector<1024x2048xf32>
    %mul3A_101 = arith.constant 1.000000e+00 : f32
    %mul3A_102 = vector.broadcast %mul3A_101 : f32 to vector<1024x2048xf32>
    %mul3A_103 = arith.mulf %dot_general3A_84, %mul3A_102 : vector<1024x2048xf32>
    %sub3A_104 = arith.subf %add3A_100, %mul3A_103 : vector<1024x2048xf32>
    %eq3A_105 = vector.broadcast %broadcast_in_dim3A_94 : vector<1024x1xf32> to vector<1024x2048xf32>
    %eq3A_106 = arith.cmpf oeq, %sub3A_104, %eq3A_105 : vector<1024x2048xf32>
    %get3A_107 = arith.constant 0 : index
    %get3A_108 = arith.constant 4096 : index
    %get3A_109 = vector.load %arg3[%get3A_107, %get3A_108] : memref<1x8192xf32, #tpu.memory_space<vmem>>, vector<1x2048xf32>
    %jit3A_110 = arith.constant 1.07374182E+9 : f32
    %broadcast_in_dim3A_111 = vector.shape_cast %get3A_109 : vector<1x2048xf32> to vector<1x2048xf32>
    %broadcast_in_dim3A_112 = vector.broadcast %broadcast_in_dim3A_111 : vector<1x2048xf32> to vector<1024x2048xf32>
    %broadcast_in_dim3A_113 = vector.broadcast %jit3A_110 : f32 to vector<1024x2048xf32>
    %select_n3A_114 = arith.select %eq3A_106, %broadcast_in_dim3A_112, %broadcast_in_dim3A_113 : vector<1024x2048xi1>, vector<1024x2048xf32>
    %reduce_min3A_115 = arith.constant dense<0x7F800000> : vector<1024xf32>
    %reduce_min3A_116 = vector.multi_reduction <minimumf>, %select_n3A_114, %reduce_min3A_115 [1] : vector<1024x2048xf32> to vector<1024xf32>
    %broadcast_in_dim3A_117 = vector.shape_cast %reduce_min3A_116 : vector<1024xf32> to vector<1024x1xf32>
    %lt3A_118 = arith.cmpf olt, %broadcast_in_dim3A_94, %select_n3A_79 : vector<1024x1xf32>
    %select_n3A_119 = arith.select %lt3A_118, %broadcast_in_dim3A_117, %select_n3A_78 : vector<1024x1xi1>, vector<1024x1xf32>
    %select_n3A_120 = arith.select %lt3A_118, %broadcast_in_dim3A_94, %select_n3A_79 : vector<1024x1xi1>, vector<1024x1xf32>
    %get3A_121 = arith.constant 6144 : index
    %get3A_122 = arith.constant 0 : index
    %get3A_123 = vector.load %arg8[%get3A_121, %get3A_122] : memref<8192x256xf32, #tpu.memory_space<vmem>>, vector<2048x256xf32>
    %dot_general3A_124 = arith.constant dense<0.000000e+00> : vector<1024x2048xf32>
    %dot_general3A_125 = tpu.matmul %mul3A_8, %get3A_123, %dot_general3A_124 {dimension_numbers = #tpu.dot_dimension_numbers<[1], [1], [0], [0], [0, 0, 1, 0], [], []>, transpose_lhs_hint = false} : vector<1024x256xf32>, vector<2048x256xf32>, vector<1024x2048xf32> -> vector<1024x2048xf32>
    %get3A_126 = arith.constant 0 : index
    %get3A_127 = arith.constant 6144 : index
    %get3A_128 = vector.load %arg2[%get3A_126, %get3A_127] : memref<1x8192xf32, #tpu.memory_space<vmem>>, vector<1x2048xf32>
    %add3A_129 = vector.broadcast %get3A_3 : vector<1024x1xf32> to vector<1024x2048xf32>
    %add3A_130 = vector.broadcast %get3A_128 : vector<1x2048xf32> to vector<1024x2048xf32>
    %add3A_131 = arith.addf %add3A_129, %add3A_130 : vector<1024x2048xf32>
    %sub3A_132 = arith.subf %add3A_131, %dot_general3A_125 : vector<1024x2048xf32>
    %reduce_min3A_133 = arith.constant dense<0x7F800000> : vector<1024xf32>
    %reduce_min3A_134 = vector.multi_reduction <minimumf>, %sub3A_132, %reduce_min3A_133 [1] : vector<1024x2048xf32> to vector<1024xf32>
    %broadcast_in_dim3A_135 = vector.shape_cast %reduce_min3A_134 : vector<1024xf32> to vector<1024x1xf32>
    %get3A_136 = arith.constant 0 : index
    %get3A_137 = arith.constant 6144 : index
    %get3A_138 = vector.load %arg2[%get3A_136, %get3A_137] : memref<1x8192xf32, #tpu.memory_space<vmem>>, vector<1x2048xf32>
    %add3A_139 = vector.broadcast %get3A_3 : vector<1024x1xf32> to vector<1024x2048xf32>
    %add3A_140 = vector.broadcast %get3A_138 : vector<1x2048xf32> to vector<1024x2048xf32>
    %add3A_141 = arith.addf %add3A_139, %add3A_140 : vector<1024x2048xf32>
    %mul3A_142 = arith.constant 1.000000e+00 : f32
    %mul3A_143 = vector.broadcast %mul3A_142 : f32 to vector<1024x2048xf32>
    %mul3A_144 = arith.mulf %dot_general3A_125, %mul3A_143 : vector<1024x2048xf32>
    %sub3A_145 = arith.subf %add3A_141, %mul3A_144 : vector<1024x2048xf32>
    %eq3A_146 = vector.broadcast %broadcast_in_dim3A_135 : vector<1024x1xf32> to vector<1024x2048xf32>
    %eq3A_147 = arith.cmpf oeq, %sub3A_145, %eq3A_146 : vector<1024x2048xf32>
    %get3A_148 = arith.constant 0 : index
    %get3A_149 = arith.constant 6144 : index
    %get3A_150 = vector.load %arg3[%get3A_148, %get3A_149] : memref<1x8192xf32, #tpu.memory_space<vmem>>, vector<1x2048xf32>
    %jit3A_151 = arith.constant 1.07374182E+9 : f32
    %broadcast_in_dim3A_152 = vector.shape_cast %get3A_150 : vector<1x2048xf32> to vector<1x2048xf32>
    %broadcast_in_dim3A_153 = vector.broadcast %broadcast_in_dim3A_152 : vector<1x2048xf32> to vector<1024x2048xf32>
    %broadcast_in_dim3A_154 = vector.broadcast %jit3A_151 : f32 to vector<1024x2048xf32>
    %select_n3A_155 = arith.select %eq3A_147, %broadcast_in_dim3A_153, %broadcast_in_dim3A_154 : vector<1024x2048xi1>, vector<1024x2048xf32>
    %reduce_min3A_156 = arith.constant dense<0x7F800000> : vector<1024xf32>
    %reduce_min3A_157 = vector.multi_reduction <minimumf>, %select_n3A_155, %reduce_min3A_156 [1] : vector<1024x2048xf32> to vector<1024xf32>
    %broadcast_in_dim3A_158 = vector.shape_cast %reduce_min3A_157 : vector<1024xf32> to vector<1024x1xf32>
    %lt3A_159 = arith.cmpf olt, %broadcast_in_dim3A_135, %select_n3A_120 : vector<1024x1xf32>
    %select_n3A_160 = arith.select %lt3A_159, %broadcast_in_dim3A_158, %select_n3A_119 : vector<1024x1xi1>, vector<1024x1xf32>
    %select_n3A_161 = arith.select %lt3A_159, %broadcast_in_dim3A_135, %select_n3A_120 : vector<1024x1xi1>, vector<1024x1xf32>
    %convert_element_type3A_162 = arith.fptosi %select_n3A_160 : vector<1024x1xf32> to vector<1024x1xi32>
    %swap3A = arith.constant 0 : index
    %swap3A_163 = arith.constant 0 : index
    %swap3A_164 = vector.load %arg6[%swap3A, %swap3A_163] : memref<1024x1xi32, #tpu.memory_space<vmem>>, vector<1024x1xi32>
    tpu.vector_store %arg6[%swap3A, %swap3A_163], %convert_element_type3A_162 {strides = array<i32>} : memref<1024x1xi32, #tpu.memory_space<vmem>>, vector<1024x1xi32>,
    %swap3A_165 = arith.constant 0 : index
    %swap3A_166 = arith.constant 0 : index
    %swap3A_167 = vector.load %arg7[%swap3A_165, %swap3A_166] : memref<1024x1xf32, #tpu.memory_space<vmem>>, vector<1024x1xf32>
    tpu.vector_store %arg7[%swap3A_165, %swap3A_166], %select_n3A_161 {strides = array<i32>} : memref<1024x1xf32, #tpu.memory_space<vmem>>, vector<1024x1xf32>,
    return
  }
  func.func @transform_0(%arg0: i32) -> (i32, i32) {
    %c0_i32 = arith.constant 0 : i32
    %c0_i32_0 = arith.constant 0 : i32
    return %arg0, %c0_i32 : i32, i32
  }
  func.func @transform_1(%arg0: i32) -> (i32, i32) {
    %c0_i32 = arith.constant 0 : i32
    %c0_i32_0 = arith.constant 0 : i32
    %c0_i32_1 = arith.constant 0 : i32
    return %c0_i32, %c0_i32_0 : i32, i32
  }
  func.func @transform_2(%arg0: i32) -> (i32, i32) {
    %c0_i32 = arith.constant 0 : i32
    %c0_i32_0 = arith.constant 0 : i32
    %c0_i32_1 = arith.constant 0 : i32
    return %c0_i32, %c0_i32_0 : i32, i32
  }
  func.func @transform_3(%arg0: i32) -> (i32, i32) {
    %c0_i32 = arith.constant 0 : i32
    %c0_i32_0 = arith.constant 0 : i32
    return %arg0, %c0_i32 : i32, i32
  }
  func.func @transform_5(%arg0: i32) -> (i32, i32) {
    %c0_i32 = arith.constant 0 : i32
    %c0_i32_0 = arith.constant 0 : i32
    return %arg0, %c0_i32 : i32, i32
  }
  func.func @transform_6(%arg0: i32) -> (i32, i32) {
    %c0_i32 = arith.constant 0 : i32
    %c0_i32_0 = arith.constant 0 : i32
    return %arg0, %c0_i32 : i32, i32
  }
}

module attributes {stable_mosaic.version = 14 : i64} {
  func.func @_stats_body(%arg0: memref<8192x1xf32, #tpu.memory_space<vmem>>, %arg1: memref<2x8192xf32, #tpu.memory_space<vmem>>, %arg2: memref<1x1xf32, #tpu.memory_space<vmem>>, %arg3: memref<1x1xf32, #tpu.memory_space<vmem>>) attributes {dimension_semantics = [], scalar_prefetch = 0 : i64, scratch_operands = 0 : i64, tpu.core_type = #tpu.core_type<tc>} {
    %get3A = arith.constant 0 : index
    %get3A_0 = arith.constant 0 : index
    %get3A_1 = vector.load %arg0[%get3A, %get3A_0] : memref<8192x1xf32, #tpu.memory_space<vmem>>, vector<8192x1xf32>
    %reduce_sum3A = vector.shape_cast %get3A_1 : vector<8192x1xf32> to vector<1x8192x1xf32>
    %reduce_sum3A_2 = arith.constant dense<0.000000e+00> : vector<1xf32>
    %reduce_sum3A_3 = vector.multi_reduction <add>, %reduce_sum3A, %reduce_sum3A_2 [1, 2] : vector<1x8192x1xf32> to vector<1xf32>
    %reduce_sum3A_4 = vector.shape_cast %reduce_sum3A_3 : vector<1xf32> to vector<1x1x1xf32>
    %reduce_sum3A_5 = vector.extract %reduce_sum3A_4[0, 0, 0] : f32 from vector<1x1x1xf32>
    %div3A = arith.constant 0x4A000000 : f32
    %div3A_6 = arith.divf %reduce_sum3A_5, %div3A : f32
    %mul3A = arith.constant 2.500000e-01 : f32
    %mul3A_7 = arith.mulf %mul3A, %div3A_6 : f32
    %add3A = arith.addf %mul3A_7, %div3A_6 : f32
    %broadcast_in_dim3A = vector.broadcast %add3A : f32 to vector<1x1xf32>
    %swap3A = arith.constant 0 : index
    %swap3A_8 = arith.constant 0 : index
    %swap3A_9 = vector.load %arg2[%swap3A, %swap3A_8] : memref<1x1xf32, #tpu.memory_space<vmem>>, vector<1x1xf32>
    tpu.vector_store %arg2[%swap3A, %swap3A_8], %broadcast_in_dim3A {strides = array<i32>} : memref<1x1xf32, #tpu.memory_space<vmem>>, vector<1x1xf32>,
    %get3A_10 = arith.constant 0 : index
    %get3A_11 = arith.constant 0 : index
    %get3A_12 = vector.load %arg1[%get3A_10, %get3A_11] : memref<2x8192xf32, #tpu.memory_space<vmem>>, vector<2x8192xf32>
    %reduce_sum3A_13 = arith.constant dense<0.000000e+00> : vector<8192xf32>
    %reduce_sum3A_14 = vector.multi_reduction <add>, %get3A_12, %reduce_sum3A_13 [0] : vector<2x8192xf32> to vector<8192xf32>
    %broadcast_in_dim3A_15 = vector.shape_cast %reduce_sum3A_14 : vector<8192xf32> to vector<1x8192xf32>
    %mul3A_16 = arith.constant 1.22070313E-4 : f32
    %mul3A_17 = vector.broadcast %mul3A_16 : f32 to vector<1x8192xf32>
    %mul3A_18 = arith.mulf %broadcast_in_dim3A_15, %mul3A_17 : vector<1x8192xf32>
    %add3A_19 = arith.constant 1.000000e-10 : f32
    %add3A_20 = vector.broadcast %add3A_19 : f32 to vector<1x8192xf32>
    %add3A_21 = arith.addf %mul3A_18, %add3A_20 : vector<1x8192xf32>
    %log3A = math.log %add3A_21 : vector<1x8192xf32>
    %mul3A_22 = arith.mulf %mul3A_18, %log3A : vector<1x8192xf32>
    %reduce_sum3A_23 = vector.shape_cast %mul3A_22 : vector<1x8192xf32> to vector<1x1x8192xf32>
    %reduce_sum3A_24 = arith.constant dense<0.000000e+00> : vector<1xf32>
    %reduce_sum3A_25 = vector.multi_reduction <add>, %reduce_sum3A_23, %reduce_sum3A_24 [1, 2] : vector<1x1x8192xf32> to vector<1xf32>
    %reduce_sum3A_26 = vector.shape_cast %reduce_sum3A_25 : vector<1xf32> to vector<1x1x1xf32>
    %reduce_sum3A_27 = vector.extract %reduce_sum3A_26[0, 0, 0] : f32 from vector<1x1x1xf32>
    %neg3A = arith.constant 0.000000e+00 : f32
    %neg3A_28 = arith.subf %neg3A, %reduce_sum3A_27 : f32
    %exp3A = math.exp %neg3A_28 : f32
    %broadcast_in_dim3A_29 = vector.broadcast %exp3A : f32 to vector<1x1xf32>
    %swap3A_30 = arith.constant 0 : index
    %swap3A_31 = arith.constant 0 : index
    %swap3A_32 = vector.load %arg3[%swap3A_30, %swap3A_31] : memref<1x1xf32, #tpu.memory_space<vmem>>, vector<1x1xf32>
    tpu.vector_store %arg3[%swap3A_30, %swap3A_31], %broadcast_in_dim3A_29 {strides = array<i32>} : memref<1x1xf32, #tpu.memory_space<vmem>>, vector<1x1xf32>,
    return
  }
}

</mosaic_0001>

<sc_bundles>
// kernel: kernel.5.cloned.1.call-start
scs
__scs_entry_jumppad:
0x0: {  	(pc) =	sbr.rel $0x88, $3  }
0x1: {  	(tag) =	ssettag $0x0;
	lr =	simm.s32 $0x1  }
0x2: {  	[smem:$0x3F9F] =	sst lr;
	_ =	strace $0xD0000000  }
0x3: {  	_ = 	snop  }
0x4: {  	_ = 	snop  }
0x5: {  	_ = 	snop  }
0x6: {  	_ = 	snop  }
0x7: {  	_ = 	snop  }
__scs_overlays_trampoline_lowered:
0x8: {  	[smem:$0x3FAE] =	sst s0  }
0x9: {  	[smem:$0x3FAF] =	sst s1  }
0xa: {  	[smem:$0x3FB0] =	sst s2  }
0xb: {  	[smem:$0x3FB1] =	sst s3  }
0xc: {  	[smem:$0x3FB2] =	sst s4  }
0xd: {  	[smem:$0x3FB3] =	sst s5  }
0xe: {  	[smem:$0x3FB4] =	sst s6  }
0xf: {  	[smem:$0x3FB5] =	sst s7  }
0x10: {  	[smem:$0x3FB6] =	sst s8  }
0x11: {  	[smem:$0x3FB7] =	sst s9;
	s0 =	simm.s32 @!p0 $0x0  }
0x12: {  	s1 =	sld [smem:$0x3F9D];
	s0 =	simm.s32 @p0 $0x1  }
0x13: {  	[smem:$0x3FB8] =	sst s0;
	s0 =	simm.s32 @!p1 $0x0  }
0x14: {  	s2 =	sld [smem:$0x3F9C];
	s0 =	simm.s32 @p1 $0x1  }
0x15: {  	[smem:$0x3FB9] =	sst s0;
	s0 =	simm.s32 @!p2 $0x0  }
0x16: {  	s3 =	sld [smem:$0x3FDB];
	s0 =	simm.s32 @p2 $0x1  }
0x17: {  	s4 =	simm.s32 $0x1BF5;
	[smem:$0x3FBB] =	sst s0  }
0x18: {  	s0 =	sld [smem:$0x3F9E];
	_ =	swait.ge [sflag:s4], $0x0  }
0x19: {  	s7 =	sld [smem:$0x3F9F]  }
0x1a: {  	s8 =	sadd.s32 $0xFFFFE003, lr  }
0x1b: {  	s9 =	sadd.s32 $0xFFFFFEF7, lr;
	s5 =	simm.s32 $0xFFFFFFFF;
	p2 =	slt.u32 s8, $0xFFFFF086  }
0x1c: {  	p1 =	slt.u32 s9, $0xF7A;
	s5 =	simm.s32 @!p2 $0x0  }
0x1d: {  	s5 =	simm.s32 @p1 $0x1;
	p0 =	seq.s32 s7, s2  }
0x1e: {  	s7 =	smul.u32 @!p0 $0xF7A, s2;
	p2 =	seq.s32 @!p0 s5, $0x0  }
0x1f: {  	s9 =	smul.u32 $0xF7A, s1;
	s8 =	simm.s32 @!p0 $0x1BF5;
	p2 =	por !p2, p0  }
0x20: {  	[sflag:s8] =	ssyncset.s32 @!p0 $0xFFFFF086;
	s6 =	sadd.s32 @!p0 s3, s7;
	s7 =	simm.s32 @!p0 $0x108  }
0x21: {  	s3 =	sadd.s32 s3, s9;
	s6 =	sadd.s32 @!p0 $0x88, s6;
	s7 =	simm.s32 @p2 $0x1082  }
0x22: {  	[simem:s7], [sflag:s8] =	dma.local @!p0 [hbm:s6], $0xF7A  }
0x23: {  	s9 =	sor.u32 $0xD0000000, s2;
	s6 =	simm.s32 $0x108;
	_ =	swait.ge @!p0 [sflag:s8], $0x0  }
0x24: {  	s3 =	sadd.s32 $0x88, s3;
	s6 =	simm.s32 @!p1 $0x1082;
	[sflag:s4] =	ssyncset.s32 $0xFFFFF086  }
0x25: {  	[simem:s6], [sflag:s4] =	dma.local [hbm:s3], $0xF7A  }
0x26: {  	[smem:$0x3F9F] =	sst s1;
	(tag) =	ssettag s2;
	_ =	strace s9  }
0x27: {  	s1 =	sld [smem:$0x3FAF]  }
0x28: {  	s2 =	sld [smem:$0x3FB0]  }
0x29: {  	s4 =	sld [smem:$0x3FB2]  }
0x2a: {  	p0 =	seq.s32 s5, $0x0;
	s5 =	sld [smem:$0x3FB3]  }
0x2b: {  	s6 =	sld [smem:$0x3FB4]  }
0x2c: {  	s7 =	sld [smem:$0x3FB5]  }
0x2d: {  	s3 =	simm.s32 $0x108;
	s8 =	sld [smem:$0x3FB6]  }
0x2e: {  	s3 =	simm.s32 @!p0 $0x1082;
	s9 =	sld [smem:$0x3FB7]  }
0x2f: {  	lr =	sadd.s32 s0, s3;
	s0 =	sld [smem:$0x3FAE]  }
0x30: {  	s3 =	sld [smem:$0x3FB1]  }
0x31: {  	[smem:$0x3FBA] =	sst s10  }
0x32: {  	s10 =	sld [smem:$0x3FB8];
	_ =	sdelay $0x3  }
0x33: {  	p0 =	seq.s32 s10, $0x1;
	s10 =	sld [smem:$0x3FBA];
	_ =	sdelay $0x3  }
0x34: {  	[smem:$0x3FBA] =	sst s10  }
0x35: {  	s10 =	sld [smem:$0x3FB9];
	_ =	sdelay $0x3  }
0x36: {  	p1 =	seq.s32 s10, $0x1;
	s10 =	sld [smem:$0x3FBA];
	_ =	sdelay $0x3  }
0x37: {  	[smem:$0x3FBA] =	sst s10  }
0x38: {  	s10 =	sld [smem:$0x3FBB]  }
0x39: {  	_ = 	snop;
	(pc) =	sbr.ind lr, $3  }
0x3a: {  	_ = 	snop  }
0x3b: {  	_ = 	snop  }
0x3c: {  	p2 =	seq.s32 s10, $0x1;
	s10 =	sld [smem:$0x3FBA]  }
0x3d: {  	_ =	shalt  }
0x3e: {  	_ =	shalt  }
0x3f: {  	_ =	shalt  }
0x40: {  	_ =	shalt  }
0x41: {  	_ =	shalt  }
0x42: {  	_ =	shalt  }
0x43: {  	_ =	shalt  }
0x44: {  	_ =	shalt  }
0x45: {  	_ =	shalt  }
0x46: {  	_ =	shalt  }
0x47: {  	_ =	shalt  }
0x48: {  	_ =	shalt  }
0x49: {  	_ =	shalt  }
0x4a: {  	_ =	shalt  }
0x4b: {  	_ =	shalt  }
0x4c: {  	_ =	shalt  }
0x4d: {  	_ =	shalt  }
0x4e: {  	_ =	shalt  }
0x4f: {  	_ =	shalt  }
0x50: {  	_ =	shalt  }
0x51: {  	_ =	shalt  }
0x52: {  	_ =	shalt  }
0x53: {  	_ =	shalt  }
0x54: {  	_ =	shalt  }
0x55: {  	_ =	shalt  }
0x56: {  	_ =	shalt  }
0x57: {  	_ =	shalt  }
0x58: {  	_ =	shalt  }
0x59: {  	_ =	shalt  }
0x5a: {  	_ =	shalt  }
0x5b: {  	_ =	shalt  }
0x5c: {  	_ =	shalt  }
0x5d: {  	_ =	shalt  }
0x5e: {  	_ =	shalt  }
0x5f: {  	_ =	shalt  }
0x60: {  	_ =	shalt  }
0x61: {  	_ =	shalt  }
0x62: {  	_ =	shalt  }
0x63: {  	_ =	shalt  }
0x64: {  	_ =	shalt  }
0x65: {  	_ =	shalt  }
0x66: {  	_ =	shalt  }
0x67: {  	_ =	shalt  }
0x68: {  	_ =	shalt  }
0x69: {  	_ =	shalt  }
0x6a: {  	_ =	shalt  }
0x6b: {  	_ =	shalt  }
0x6c: {  	_ =	shalt  }
0x6d: {  	_ =	shalt  }
0x6e: {  	_ =	shalt  }
0x6f: {  	_ =	shalt  }
0x70: {  	_ =	shalt  }
0x71: {  	_ =	shalt  }
0x72: {  	_ =	shalt  }
0x73: {  	_ =	shalt  }
0x74: {  	_ =	shalt  }
0x75: {  	_ =	shalt  }
0x76: {  	_ =	shalt  }
0x77: {  	_ =	shalt  }
0x78: {  	_ =	shalt  }
0x79: {  	_ =	shalt  }
0x7a: {  	_ =	shalt  }
0x7b: {  	_ =	shalt  }
0x7c: {  	_ =	shalt  }
0x7d: {  	_ =	shalt  }
0x7e: {  	_ =	shalt  }
0x7f: {  	_ =	shalt  }
0x80: {  	_ =	shalt  }
0x81: {  	_ =	shalt  }
0x82: {  	_ =	shalt  }
0x83: {  	_ =	shalt  }
0x84: {  	_ =	shalt  }
0x85: {  	_ =	shalt  }
0x86: {  	_ =	shalt  }
0x87: {  	_ =	shalt  }
.Lfunc_end0:
.L_simem_size_0:
called_computation_lowered:
.L_overlay_start_0:
0x88: {  	s2 =	sld [smem:$0x3FD9]  }
0x89: {  	s3 =	sld [smem:$0x3FFE];
	_ =	sdelay $0x1  }
0x8a: {  	s1 =	srdreg.scid  }
0x8b: {  	s0 =	sand.u32 $0x1, s1  }
0x8c: {  	s14 =	sshll.u32 s0, $0xA;
	s2 =	sadd.s32 s3, s2  }
0x8d: {  	s2 =	sadd.s32 s2, s14  }
0x8e: {  	[smem:$0x3FC6] =	sst s2  }
0x8f: {  	_ = 	snop  }
0x90: {  	s2 =	sld [smem:$0x3FD0];
	_ =	sdelay $0x2  }
0x91: {  	s4 =	simm.s32 $0xA;
	s5 =	simm.s32 $0x10;
	s15 =	sld [smem:$0x3FC8]  }
0x92: {  	[smem:s5], [sflag:s4] =	dma.local [hbm:s2], $0x1  }
0x93: {  	_ =	swait.eq [sflag:s4], $0x1  }
0x94: {  	[sflag:s4] =	ssyncset.done $0x0  }
0x95: {  	[sflag:s4] =	ssyncadd.s32 $0xFFFFFFFF  }
0x96: {  	s16 =	sld [smem:$0x10];
	(tm) =	ssettm $0x1  }
0x97: {  	s17 =	sld [smem:$0x3FFB];
	_ =	sdelay $0x3  }
0x98: {  	_ =	strace s17  }
0x99: {  	s4 =	sld [smem:$0x3FFC];
	_ =	sdelay $0x3  }
0x9a: {  	_ =	strace s4  }
0x9b: {  	s4 =	sld [smem:$0x3FFD];
	_ =	sdelay $0x3  }
0x9c: {  	_ =	strace s4  }
0x9d: {  	_ =	strace $0x8FFFFFFF  }
0x9e: {  	s18 =	sld [smem:$0x3FDB];
	_ =	sdelay $0x1  }
0x9f: {  	s19 =	simm.s32 $_scs_section_size  }
0xa0: {  	s6 =	simm.s32 $_size__tile_overlayer_lowered;
	s7 =	simm.s32 $_tile_overlayer_lowered  }
0xa1: {  	s22 =	simm.s32 $0x1BFF;
	s21 =	sshll.u32 s7, $0x1;
	s4 =	sadd.s32 s19, s18  }
0xa2: {  	s8 =	simm.s32 $0x0;
	s20 =	sshll.u32 s6, $0x1;
	s6 =	sadd.s32 s21, s4  }
0xa3: {  	[timem:s8], [sflag:s22] =	dma.local [hbm:s6], s20  }
0xa4: {  	_ =	swait.ge [sflag:s22], s20  }
0xa5: {  	s5 =	ssub.s32 $0x0, s20;
	[sflag:s22] =	ssyncset.done $0x0  }
0xa6: {  	[sflag:s22] =	ssyncadd.s32 s5;
	_ =	sdelay $0x1  }
0xa7: {  	s23 =	simm.s32 $0x1B8B  }
0xa8: {  	_ =	swait.ge [sflag:s23], $0x1  }
0xa9: {  	[sflag:s23] =	ssyncset.done $0x0  }
0xaa: {  	s25 =	simm.s32 $0x1B8E;
	s24 =	sld [smem:$0x3FFE];
	[sflag:s23] =	ssyncadd.s32 $0xFFFFFFFF  }
0xab: {  	s26 =	simm.s32 $execute0_lowered;
	[smem:$0x3FD2] =	sst s25  }
0xac: {  	s6 =	sshll.u32 s26, $0x1;
	_ =	strace $0x80000046;
	[dreg:$0x1] =	wrdreg $0xFFFFFFFF  }
0xad: {  	s28 =	simm.s32 $_size_execute0_lowered;
	s4 =	sadd.s32 s4, s6;
	[dreg:$0x0] =	wrdreg $0x0  }
0xae: {  	s6 =	sshll.u32 s28, $0x1;
	[dreg:$0x2] =	wrdreg s4  }
0xaf: {  	[dreg:$0x3] =	wrdreg s6  }
0xb0: {  	[dreg:$0x4] =	wrdreg $0xC0  }
0xb1: {  	_ =	task [dreg:s8], $0x5FFFF  }
0xb2: {  	[dreg:$0x1] =	wrdreg $0xFFFFFFFF  }
0xb3: {  	[dreg:$0x0] =	wrdreg $0x60  }
0xb4: {  	[dreg:$0x2] =	wrdreg s15  }
0xb5: {  	[dreg:$0x3] =	wrdreg s24  }
0xb6: {  	[dreg:$0x4] =	wrdreg s16  }
0xb7: {  	[dreg:$0x5] =	wrdreg $0x103800  }
0xb8: {  	[dreg:$0x6] =	wrdreg $0x9  }
0xb9: {  	_ =	task.clear_ibuf [dreg:s8], $0x7FFFF;
	_ =	strace $0x90000046  }
0xba: {  	s29 =	simm.s32 $0x9;
	_ =	strace $0x80000048  }
0xbb: {  	_ =	swait.ge [sflag:s29], $0x1  }
0xbc: {  	[sflag:s29] =	ssyncadd.s32 $0xFFFFFFFF  }
0xbd: {  	_ =	strace $0x90000048  }
0xbe: {  	_ =	sfence  }
0xbf: {  	s30 =	sld [smem:$0x0];
	_ =	sdelay $0x2  }
0xc0: {  	s31 =	sshll.u32 s1, $0xD;
	s1 =	sshrl.u32 s1, $0x2  }
0xc1: {  	s3 =	sand.u32 $0x4000, s31;
	s1 =	sadd.s32 s1, s30  }
0xc2: {  	s0 =	sor.u32 s3, s0;
	s1 =	sshll.u32 s1, $0x11  }
0xc3: {  	s0 =	sor.u32 s1, s0  }
0xc4: {  	s0 =	sadd.s32 $0x8F2B, s0  }
0xc5: {  	[sflag:s0] =	ssyncadd.remote.s32 $0x1  }
0xc6: {  	_ =	sfence.sel $0xFFFF  }
0xc7: {  	[dreg:$0x0] =	wrdreg $0xFFFFFFFF;
	(pc) =	sbr.abs _section_cstart, $3  }
0xc8: {  	[dreg:$0x1] =	wrdreg $0xFFFFFFFF  }
0xc9: {  	_ =	task.clear_ibuf [dreg:s8], $0x2FFFF;
	_ =	strace $0x9FFFFFFF  }
0xca: {  	(tm) =	ssettm $0x7FFFFFFF  }
0xcb: {  	_ =	shalt  }
tec
execute0_lowered:
.L_overlay_start_1:
0x0: {  	(tag) =	ssettag $0x1  }
0x1: {  	s0 =	rddreg [dreg:$0x0]  }
0x2: {  	s4 =	rddreg [dreg:$0x1]  }
0x3: {  	s7 =	rddreg [dreg:$0x2]  }
0x4: {  	s2 =	rddreg [dreg:$0x3];
	s3 =	simm.s32 $0x0  }
0x5: {  	s14 =	simm.s32 $0x10180;
	[smem:$0x7FF] =	sst s3  }
0x6: {  	s15 =	simm.s32 $0x900;
	_ =	strace $0x80000047;
	[dreg:$0x9] =	wrdreg s14  }
0x7: {  	s16 =	simm.s32 $0x1100;
	[dreg:$0xa] =	wrdreg s15  }
0x8: {  	s17 =	simm.s32 $0x1900;
	[dreg:$0xb] =	wrdreg s16  }
0x9: {  	s18 =	simm.s32 $0x2100;
	[dreg:$0xc] =	wrdreg s17  }
0xa: {  	s19 =	simm.s32 $0x2900;
	[dreg:$0xd] =	wrdreg s18  }
0xb: {  	s1 =	srdreg.scid;
	s20 =	simm.s32 $0x3100;
	[dreg:$0xe] =	wrdreg s19  }
0xc: {  	s5 =	stileid.u32;
	s21 =	simm.s32 $0x3900;
	[dreg:$0xf] =	wrdreg s20  }
0xd: {  	s22 =	simm.s32 $0x4100;
	s23 =	simm.s32 $0x4900;
	[dreg:$0x10] =	wrdreg s21  }
0xe: {  	s24 =	simm.s32 $0x5100;
	s26 =	simm.s32 $0x5900;
	[dreg:$0x11] =	wrdreg s22  }
0xf: {  	s28 =	simm.s32 $0x6100;
	s29 =	simm.s32 $0x6900;
	[dreg:$0x12] =	wrdreg s23  }
0x10: {  	s30 =	simm.s32 $0x7100;
	s31 =	simm.s32 $0x7900;
	[dreg:$0x13] =	wrdreg s24  }
0x11: {  	s12 =	simm.s32 $0xA100;
	s13 =	simm.s32 $0xA900;
	[dreg:$0x14] =	wrdreg s26  }
0x12: {  	s6 =	sand.u32 $0x1, s1;
	s8 =	sshll.u32 s5, $0x9;
	[dreg:$0x15] =	wrdreg s28  }
0x13: {  	p0 =	sne.s32 s5, $0x0;
	s5 =	simm.s32 $0x2;
	[dreg:$0x16] =	wrdreg s29  }
0x14: {  	s1 =	sshll.u32 s6, $0x8;
	s11 =	sshll.u32 s6, $0x4;
	[dreg:$0x17] =	wrdreg s30  }
0x15: {  	s6 =	ssub.s32 $0x2, s6;
	[dreg:$0x18] =	wrdreg s31;
	s14 =	simm.s32 $0xB100  }
0x16: {  	s15 =	simm.s32 $0xB900;
	s16 =	simm.s32 $0xC100;
	s17 =	simm.s32 $0xC900  }
0x17: {  	s18 =	simm.s32 $0xD100;
	s19 =	simm.s32 $0xD900;
	s20 =	simm.s32 $0xE100  }
0x18: {  	s21 =	simm.s32 $0xE900;
	s22 =	simm.s32 $0xF100;
	s23 =	simm.s32 $0xF900  }
0x19: {  	s24 =	simm.s32 $0x80;
	s9 =	sor.u32 s1, s8;
	s8 =	sadd.s32 s8, s2  }
0x1a: {  	s25 =	sshrl.u32 s6, $0x1;
	s10 =	sshrl.u32 s9, $0x3;
	s9 =	sshll.u32 s9, $0x5  }
0x1b: {  	[dreg:$0x6] =	wrdreg s8;
	s6 =	ssub.s32 s6, s25;
	s8 =	simm.s32 $0x8100  }
0x1c: {  	s25 =	simm.s32 $0x10100;
	s10 =	sadd.s32 s10, s4;
	s7 =	sadd.s32 s7, s9  }
0x1d: {  	s4 =	sadd.s32 s11, s4;
	s10 =	sadd.s32 $0xA00, s10;
	[dreg:$0x7] =	wrdreg s7  }
0x1e: {  	v0 =	vimm.f32 $1.000000000e+00;
	v4 =	vlaneseq.u32;
	s9 =	simm.s32 $0x8900;
	s4 =	sadd.s32 $0xE00, s4;
	[dreg:$0x5] =	wrdreg s10  }
0x1f: {  	v1 =	vimm.f32 $0.0e+00;
	vm0 =	vmmov $0xffff;
	v3 =	vshrl.u32 v4, $0x3;
	s11 =	simm.s32 $0x9900;
	s7 =	simm.s32 $0x1;
	[dreg:$0x8] =	wrdreg s4  }
0x20: {  	v2 =	vand.u32 $0x7, v4;
	v4 =	vor.u32 $0x8, v4;
	v3 =	vmul.u32 $0x8, v3;
	s4 =	smax.u32 s6, $0x1;
	s6 =	simm.s32 $0x100;
	s10 =	simm.s32 $0x9100  }
.LBB2_1:
0x21: {  	s26 =	rddreg [dreg:$0x5]  }
0x22: {  	[tilespmem:s3], [sflag:$0x2] =	stream.linear.gather [hbm4b:s26+s3], $0x100, $0x38;
	[tilespmem:$0x10580] =	vst v63  }
0x23: {  	_ =	swait.ge [sflag:s5], $0x100  }
0x24: {  	[sflag:s5] =	ssyncset.done $0x0  }
0x25: {  	[sflag:s5] =	ssyncadd.s32 $0xFFFFFF00  }
0x26: {  	[tilespmem:$0x10100] =	vst v0  }
0x27: {  	[tilespmem:$0x10110] =	vst v0  }
0x28: {  	[tilespmem:$0x10120] =	vst v0  }
0x29: {  	[tilespmem:$0x10130] =	vst v0  }
0x2a: {  	[tilespmem:$0x10140] =	vst v0  }
0x2b: {  	[tilespmem:$0x10150] =	vst v0  }
0x2c: {  	[tilespmem:$0x10160] =	vst v0  }
0x2d: {  	[tilespmem:$0x10170] =	vst v0  }
0x2e: {  	[tilespmem:$0x10180] =	vst v1  }
0x2f: {  	[tilespmem:$0x10190] =	vst v1  }
0x30: {  	[tilespmem:$0x101A0] =	vst v1  }
0x31: {  	[tilespmem:$0x101B0] =	vst v1  }
0x32: {  	[tilespmem:$0x101C0] =	vst v1  }
0x33: {  	[tilespmem:$0x101D0] =	vst v1  }
0x34: {  	[tilespmem:$0x101E0] =	vst v1  }
0x35: {  	[tilespmem:$0x101F0] =	vst v1  }
0x36: {  	[tilespmem:$0x10200] =	vst v1  }
0x37: {  	[tilespmem:$0x10210] =	vst v1  }
0x38: {  	[tilespmem:$0x10220] =	vst v1  }
0x39: {  	[tilespmem:$0x10230] =	vst v1  }
0x3a: {  	[tilespmem:$0x10240] =	vst v1  }
0x3b: {  	[tilespmem:$0x10250] =	vst v1  }
0x3c: {  	[tilespmem:$0x10260] =	vst v1  }
0x3d: {  	[tilespmem:$0x10270] =	vst v1  }
0x3e: {  	[tilespmem:$0x10280] =	vst v1  }
0x3f: {  	[tilespmem:$0x10290] =	vst v1  }
0x40: {  	[tilespmem:$0x102A0] =	vst v1  }
0x41: {  	[tilespmem:$0x102B0] =	vst v1  }
0x42: {  	[tilespmem:$0x102C0] =	vst v1  }
0x43: {  	[tilespmem:$0x102D0] =	vst v1  }
0x44: {  	[tilespmem:$0x102E0] =	vst v1  }
0x45: {  	[tilespmem:$0x102F0] =	vst v1  }
0x46: {  	[tilespmem:$0x10300] =	vst v1  }
0x47: {  	[tilespmem:$0x10310] =	vst v1  }
0x48: {  	[tilespmem:$0x10320] =	vst v1  }
0x49: {  	[tilespmem:$0x10330] =	vst v1  }
0x4a: {  	[tilespmem:$0x10340] =	vst v1  }
0x4b: {  	[tilespmem:$0x10350] =	vst v1  }
0x4c: {  	s1 =	rddreg [dreg:$0x6];
	[tilespmem:$0x10360] =	vst v1  }
0x4d: {  	s28 =	rddreg [dreg:$0x9];
	[tilespmem:$0x10370] =	vst v1  }
0x4e: {  	[spmem:s1] =	stream.linear.scatter [tilespmem:s28], [sflag:$0x2], $0x200, $0x38;
	[tilespmem:$0x10580] =	vst v63  }
0x4f: {  	_ =	swait.ge [sflag:s5], $0x200  }
0x50: {  	[sflag:s5] =	ssyncset.done $0x0  }
0x51: {  	[sflag:s5] =	ssyncadd.s32 $0xFFFFFE00  }
0x52: {  	[bflag:$0x0] =	sbarrier.arrive $0xFFFF  }
0x53: {  	v5 =	vld [tilespmem:$0x0];
	_ =	sdelay $0x4  }
0x54: {  	v6 =	vshll.u32 v5, $0x1  }
0x55: {  	v5 =	vand.u32 $0x7, v5;
	v6 =	vand.u32 $0xFFFFFFF0, v6  }
0x56: {  	v5 =	vor.u32 v5, v6  }
0x57: {  	v6 =	vperm.xlane v5, v2;
	_ =	sdelay $0x1  }
0x58: {  	v5 =	vperm.xlane v5, v4;
	v6 =	vadd.s32 v3, v6;
	_ =	sdelay $0x1  }
0x59: {  	v5 =	vadd.s32 v3, v5;
	_ =	sdelay $0x2  }
0x5a: {  	[tilespmem:s6], [sflag:$0x1] =	stream.indirect_vreg.gather [hbm4b:s0+s3], $0x80, v6, vm0, $0xb8;
	[tilespmem:$0x10580] =	vst v63  }
0x5b: {  	s28 =	rddreg [dreg:$0xa]  }
0x5c: {  	[tilespmem:s28], [sflag:$0x1] =	stream.indirect_vreg.gather [hbm4b:s0+s3], $0x80, v5, vm0, $0xb8;
	[tilespmem:$0x10580] =	vst v63  }
0x5d: {  	v5 =	vld [tilespmem:$0x10];
	_ =	sdelay $0x4  }
0x5e: {  	v6 =	vshll.u32 v5, $0x1  }
0x5f: {  	v5 =	vand.u32 $0x7, v5;
	v6 =	vand.u32 $0xFFFFFFF0, v6  }
0x60: {  	v5 =	vor.u32 v5, v6  }
0x61: {  	v6 =	vperm.xlane v5, v2;
	_ =	sdelay $0x1  }
0x62: {  	v5 =	vperm.xlane v5, v4;
	v6 =	vadd.s32 v3, v6;
	_ =	sdelay $0x1  }
0x63: {  	v5 =	vadd.s32 v3, v5;
	_ =	sdelay $0x1  }
0x64: {  	s29 =	rddreg [dreg:$0xb]  }
0x65: {  	[tilespmem:s29], [sflag:$0x1] =	stream.indirect_vreg.gather [hbm4b:s0+s3], $0x80, v6, vm0, $0xb8;
	[tilespmem:$0x10580] =	vst v63  }
0x66: {  	s30 =	rddreg [dreg:$0xc]  }
0x67: {  	[tilespmem:s30], [sflag:$0x1] =	stream.indirect_vreg.gather [hbm4b:s0+s3], $0x80, v5, vm0, $0xb8;
	[tilespmem:$0x10580] =	vst v63  }
0x68: {  	v5 =	vld [tilespmem:$0x20];
	_ =	sdelay $0x4  }
0x69: {  	v6 =	vshll.u32 v5, $0x1  }
0x6a: {  	v5 =	vand.u32 $0x7, v5;
	v6 =	vand.u32 $0xFFFFFFF0, v6  }
0x6b: {  	v5 =	vor.u32 v5, v6  }
0x6c: {  	v6 =	vperm.xlane v5, v2;
	_ =	sdelay $0x1  }
0x6d: {  	v5 =	vperm.xlane v5, v4;
	v6 =	vadd.s32 v3, v6;
	_ =	sdelay $0x1  }
0x6e: {  	v5 =	vadd.s32 v3, v5;
	_ =	sdelay $0x1  }
0x6f: {  	s31 =	rddreg [dreg:$0xd]  }
0x70: {  	[tilespmem:s31], [sflag:$0x1] =	stream.indirect_vreg.gather [hbm4b:s0+s3], $0x80, v6, vm0, $0xb8;
	[tilespmem:$0x10580] =	vst v63  }
0x71: {  	s1 =	rddreg [dreg:$0xe]  }
0x72: {  	[tilespmem:s1], [sflag:$0x1] =	stream.indirect_vreg.gather [hbm4b:s0+s3], $0x80, v5, vm0, $0xb8;
	[tilespmem:$0x10580] =	vst v63  }
0x73: {  	v5 =	vld [tilespmem:$0x30];
	_ =	sdelay $0x4  }
0x74: {  	v6 =	vshll.u32 v5, $0x1  }
0x75: {  	v5 =	vand.u32 $0x7, v5;
	v6 =	vand.u32 $0xFFFFFFF0, v6  }
0x76: {  	v5 =	vor.u32 v5, v6  }
0x77: {  	v6 =	vperm.xlane v5, v2;
	_ =	sdelay $0x1  }
0x78: {  	v5 =	vperm.xlane v5, v4;
	v6 =	vadd.s32 v3, v6;
	_ =	sdelay $0x1  }
0x79: {  	v5 =	vadd.s32 v3, v5;
	_ =	sdelay $0x1  }
0x7a: {  	s29 =	rddreg [dreg:$0xf]  }
0x7b: {  	[tilespmem:s29], [sflag:$0x1] =	stream.indirect_vreg.gather [hbm4b:s0+s3], $0x80, v6, vm0, $0xb8;
	[tilespmem:$0x10580] =	vst v63  }
0x7c: {  	s30 =	rddreg [dreg:$0x10]  }
0x7d: {  	[tilespmem:s30], [sflag:$0x1] =	stream.indirect_vreg.gather [hbm4b:s0+s3], $0x80, v5, vm0, $0xb8;
	[tilespmem:$0x10580] =	vst v63  }
0x7e: {  	v5 =	vld [tilespmem:$0x40];
	_ =	sdelay $0x4  }
0x7f: {  	v6 =	vshll.u32 v5, $0x1  }
0x80: {  	v5 =	vand.u32 $0x7, v5;
	v6 =	vand.u32 $0xFFFFFFF0, v6  }
0x81: {  	v5 =	vor.u32 v5, v6  }
0x82: {  	v6 =	vperm.xlane v5, v2;
	_ =	sdelay $0x1  }
0x83: {  	v5 =	vperm.xlane v5, v4;
	v6 =	vadd.s32 v3, v6;
	_ =	sdelay $0x1  }
0x84: {  	v5 =	vadd.s32 v3, v5;
	_ =	sdelay $0x1  }
0x85: {  	s31 =	rddreg [dreg:$0x11]  }
0x86: {  	[tilespmem:s31], [sflag:$0x1] =	stream.indirect_vreg.gather [hbm4b:s0+s3], $0x80, v6, vm0, $0xb8;
	[tilespmem:$0x10580] =	vst v63  }
0x87: {  	s1 =	rddreg [dreg:$0x12]  }
0x88: {  	[tilespmem:s1], [sflag:$0x1] =	stream.indirect_vreg.gather [hbm4b:s0+s3], $0x80, v5, vm0, $0xb8;
	[tilespmem:$0x10580] =	vst v63  }
0x89: {  	v5 =	vld [tilespmem:$0x50];
	_ =	sdelay $0x4  }
0x8a: {  	v6 =	vshll.u32 v5, $0x1  }
0x8b: {  	v5 =	vand.u32 $0x7, v5;
	v6 =	vand.u32 $0xFFFFFFF0, v6  }
0x8c: {  	v5 =	vor.u32 v5, v6  }
0x8d: {  	v6 =	vperm.xlane v5, v2;
	_ =	sdelay $0x1  }
0x8e: {  	v5 =	vperm.xlane v5, v4;
	v6 =	vadd.s32 v3, v6;
	_ =	sdelay $0x1  }
0x8f: {  	v5 =	vadd.s32 v3, v5;
	_ =	sdelay $0x1  }
0x90: {  	s29 =	rddreg [dreg:$0x13]  }
0x91: {  	[tilespmem:s29], [sflag:$0x1] =	stream.indirect_vreg.gather [hbm4b:s0+s3], $0x80, v6, vm0, $0xb8;
	[tilespmem:$0x10580] =	vst v63  }
0x92: {  	s30 =	rddreg [dreg:$0x14]  }
0x93: {  	[tilespmem:s30], [sflag:$0x1] =	stream.indirect_vreg.gather [hbm4b:s0+s3], $0x80, v5, vm0, $0xb8;
	[tilespmem:$0x10580] =	vst v63  }
0x94: {  	v5 =	vld [tilespmem:$0x60];
	_ =	sdelay $0x4  }
0x95: {  	v6 =	vshll.u32 v5, $0x1  }
0x96: {  	v5 =	vand.u32 $0x7, v5;
	v6 =	vand.u32 $0xFFFFFFF0, v6  }
0x97: {  	v5 =	vor.u32 v5, v6  }
0x98: {  	v6 =	vperm.xlane v5, v2;
	_ =	sdelay $0x1  }
0x99: {  	v5 =	vperm.xlane v5, v4;
	v6 =	vadd.s32 v3, v6;
	_ =	sdelay $0x1  }
0x9a: {  	v5 =	vadd.s32 v3, v5;
	_ =	sdelay $0x1  }
0x9b: {  	s31 =	rddreg [dreg:$0x15]  }
0x9c: {  	[tilespmem:s31], [sflag:$0x1] =	stream.indirect_vreg.gather [hbm4b:s0+s3], $0x80, v6, vm0, $0xb8;
	[tilespmem:$0x10580] =	vst v63  }
0x9d: {  	s1 =	rddreg [dreg:$0x16]  }
0x9e: {  	[tilespmem:s1], [sflag:$0x1] =	stream.indirect_vreg.gather [hbm4b:s0+s3], $0x80, v5, vm0, $0xb8;
	[tilespmem:$0x10580] =	vst v63  }
0x9f: {  	v5 =	vld [tilespmem:$0x70];
	_ =	sdelay $0x4  }
0xa0: {  	v6 =	vshll.u32 v5, $0x1  }
0xa1: {  	v5 =	vand.u32 $0x7, v5;
	v6 =	vand.u32 $0xFFFFFFF0, v6  }
0xa2: {  	v5 =	vor.u32 v5, v6  }
0xa3: {  	v6 =	vperm.xlane v5, v2;
	_ =	sdelay $0x1  }
0xa4: {  	v5 =	vperm.xlane v5, v4;
	v6 =	vadd.s32 v3, v6;
	_ =	sdelay $0x1  }
0xa5: {  	v5 =	vadd.s32 v3, v5;
	_ =	sdelay $0x1  }
0xa6: {  	s29 =	rddreg [dreg:$0x17]  }
0xa7: {  	[tilespmem:s29], [sflag:$0x1] =	stream.indirect_vreg.gather [hbm4b:s0+s3], $0x80, v6, vm0, $0xb8;
	[tilespmem:$0x10580] =	vst v63  }
0xa8: {  	s30 =	rddreg [dreg:$0x18]  }
0xa9: {  	[tilespmem:s30], [sflag:$0x1] =	stream.indirect_vreg.gather [hbm4b:s0+s3], $0x80, v5, vm0, $0xb8;
	[tilespmem:$0x10580] =	vst v63  }
0xaa: {  	_ =	swait.ge [sflag:s7], $0x8000  }
0xab: {  	[sflag:s7] =	ssyncset.done $0x0  }
0xac: {  	[sflag:s7] =	ssyncadd.s32 $0xFFFF8000  }
0xad: {  	v5 =	vld [tilespmem:$0x80];
	_ =	sdelay $0x4  }
0xae: {  	v6 =	vshll.u32 v5, $0x1  }
0xaf: {  	v5 =	vand.u32 $0x7, v5;
	v6 =	vand.u32 $0xFFFFFFF0, v6  }
0xb0: {  	v5 =	vor.u32 v5, v6  }
0xb1: {  	v6 =	vperm.xlane v5, v2;
	_ =	sdelay $0x1  }
0xb2: {  	v5 =	vperm.xlane v5, v4;
	v6 =	vadd.s32 v3, v6;
	_ =	sdelay $0x1  }
0xb3: {  	v5 =	vadd.s32 v3, v5;
	_ =	sdelay $0x2  }
0xb4: {  	[tilespmem:s8], [sflag:$0x1] =	stream.indirect_vreg.gather [hbm4b:s0+s3], $0x80, v6, vm0, $0xb8;
	[tilespmem:$0x10580] =	vst v63  }
0xb5: {  	_ = 	snop  }
0xb6: {  	[tilespmem:s9], [sflag:$0x1] =	stream.indirect_vreg.gather [hbm4b:s0+s3], $0x80, v5, vm0, $0xb8;
	[tilespmem:$0x10580] =	vst v63  }
0xb7: {  	v5 =	vld [tilespmem:$0x90];
	_ =	sdelay $0x4  }
0xb8: {  	v6 =	vshll.u32 v5, $0x1  }
0xb9: {  	v5 =	vand.u32 $0x7, v5;
	v6 =	vand.u32 $0xFFFFFFF0, v6  }
0xba: {  	v5 =	vor.u32 v5, v6  }
0xbb: {  	v6 =	vperm.xlane v5, v2;
	_ =	sdelay $0x1  }
0xbc: {  	v5 =	vperm.xlane v5, v4;
	v6 =	vadd.s32 v3, v6;
	_ =	sdelay $0x1  }
0xbd: {  	v5 =	vadd.s32 v3, v5;
	_ =	sdelay $0x2  }
0xbe: {  	[tilespmem:s10], [sflag:$0x1] =	stream.indirect_vreg.gather [hbm4b:s0+s3], $0x80, v6, vm0, $0xb8;
	[tilespmem:$0x10580] =	vst v63  }
0xbf: {  	_ = 	snop  }
0xc0: {  	[tilespmem:s11], [sflag:$0x1] =	stream.indirect_vreg.gather [hbm4b:s0+s3], $0x80, v5, vm0, $0xb8;
	[tilespmem:$0x10580] =	vst v63  }
0xc1: {  	v5 =	vld [tilespmem:$0xA0];
	_ =	sdelay $0x4  }
0xc2: {  	v6 =	vshll.u32 v5, $0x1  }
0xc3: {  	v5 =	vand.u32 $0x7, v5;
	v6 =	vand.u32 $0xFFFFFFF0, v6  }
0xc4: {  	v5 =	vor.u32 v5, v6  }
0xc5: {  	v6 =	vperm.xlane v5, v2;
	_ =	sdelay $0x1  }
0xc6: {  	v5 =	vperm.xlane v5, v4;
	v6 =	vadd.s32 v3, v6;
	_ =	sdelay $0x1  }
0xc7: {  	v5 =	vadd.s32 v3, v5;
	_ =	sdelay $0x2  }
0xc8: {  	[tilespmem:s12], [sflag:$0x1] =	stream.indirect_vreg.gather [hbm4b:s0+s3], $0x80, v6, vm0, $0xb8;
	[tilespmem:$0x10580] =	vst v63  }
0xc9: {  	_ = 	snop  }
0xca: {  	[tilespmem:s13], [sflag:$0x1] =	stream.indirect_vreg.gather [hbm4b:s0+s3], $0x80, v5, vm0, $0xb8;
	[tilespmem:$0x10580] =	vst v63  }
0xcb: {  	v5 =	vld [tilespmem:$0xB0];
	_ =	sdelay $0x4  }
0xcc: {  	v6 =	vshll.u32 v5, $0x1  }
0xcd: {  	v5 =	vand.u32 $0x7, v5;
	v6 =	vand.u32 $0xFFFFFFF0, v6  }
0xce: {  	v5 =	vor.u32 v5, v6  }
0xcf: {  	v6 =	vperm.xlane v5, v2;
	_ =	sdelay $0x1  }
0xd0: {  	v5 =	vperm.xlane v5, v4;
	v6 =	vadd.s32 v3, v6;
	_ =	sdelay $0x1  }
0xd1: {  	v5 =	vadd.s32 v3, v5;
	_ =	sdelay $0x2  }
0xd2: {  	[tilespmem:s14], [sflag:$0x1] =	stream.indirect_vreg.gather [hbm4b:s0+s3], $0x80, v6, vm0, $0xb8;
	[tilespmem:$0x10580] =	vst v63  }
0xd3: {  	_ = 	snop  }
0xd4: {  	[tilespmem:s15], [sflag:$0x1] =	stream.indirect_vreg.gather [hbm4b:s0+s3], $0x80, v5, vm0, $0xb8;
	[tilespmem:$0x10580] =	vst v63  }
0xd5: {  	v5 =	vld [tilespmem:$0xC0];
	_ =	sdelay $0x4  }
0xd6: {  	v6 =	vshll.u32 v5, $0x1  }
0xd7: {  	v5 =	vand.u32 $0x7, v5;
	v6 =	vand.u32 $0xFFFFFFF0, v6  }
0xd8: {  	v5 =	vor.u32 v5, v6  }
0xd9: {  	v6 =	vperm.xlane v5, v2;
	_ =	sdelay $0x1  }
0xda: {  	v5 =	vperm.xlane v5, v4;
	v6 =	vadd.s32 v3, v6;
	_ =	sdelay $0x1  }
0xdb: {  	v5 =	vadd.s32 v3, v5;
	_ =	sdelay $0x2  }
0xdc: {  	[tilespmem:s16], [sflag:$0x1] =	stream.indirect_vreg.gather [hbm4b:s0+s3], $0x80, v6, vm0, $0xb8;
	[tilespmem:$0x10580] =	vst v63  }
0xdd: {  	_ = 	snop  }
0xde: {  	[tilespmem:s17], [sflag:$0x1] =	stream.indirect_vreg.gather [hbm4b:s0+s3], $0x80, v5, vm0, $0xb8;
	[tilespmem:$0x10580] =	vst v63  }
0xdf: {  	v5 =	vld [tilespmem:$0xD0];
	_ =	sdelay $0x4  }
0xe0: {  	v6 =	vshll.u32 v5, $0x1  }
0xe1: {  	v5 =	vand.u32 $0x7, v5;
	v6 =	vand.u32 $0xFFFFFFF0, v6  }
0xe2: {  	v5 =	vor.u32 v5, v6  }
0xe3: {  	v6 =	vperm.xlane v5, v2;
	_ =	sdelay $0x1  }
0xe4: {  	v5 =	vperm.xlane v5, v4;
	v6 =	vadd.s32 v3, v6;
	_ =	sdelay $0x1  }
0xe5: {  	v5 =	vadd.s32 v3, v5;
	_ =	sdelay $0x2  }
0xe6: {  	[tilespmem:s18], [sflag:$0x1] =	stream.indirect_vreg.gather [hbm4b:s0+s3], $0x80, v6, vm0, $0xb8;
	[tilespmem:$0x10580] =	vst v63  }
0xe7: {  	_ = 	snop  }
0xe8: {  	[tilespmem:s19], [sflag:$0x1] =	stream.indirect_vreg.gather [hbm4b:s0+s3], $0x80, v5, vm0, $0xb8;
	[tilespmem:$0x10580] =	vst v63  }
0xe9: {  	v5 =	vld [tilespmem:$0xE0];
	_ =	sdelay $0x4  }
0xea: {  	v6 =	vshll.u32 v5, $0x1  }
0xeb: {  	v5 =	vand.u32 $0x7, v5;
	v6 =	vand.u32 $0xFFFFFFF0, v6  }
0xec: {  	v5 =	vor.u32 v5, v6  }
0xed: {  	v6 =	vperm.xlane v5, v2;
	_ =	sdelay $0x1  }
0xee: {  	v5 =	vperm.xlane v5, v4;
	v6 =	vadd.s32 v3, v6;
	_ =	sdelay $0x1  }
0xef: {  	v5 =	vadd.s32 v3, v5;
	_ =	sdelay $0x2  }
0xf0: {  	[tilespmem:s20], [sflag:$0x1] =	stream.indirect_vreg.gather [hbm4b:s0+s3], $0x80, v6, vm0, $0xb8;
	[tilespmem:$0x10580] =	vst v63  }
0xf1: {  	_ = 	snop  }
0xf2: {  	[tilespmem:s21], [sflag:$0x1] =	stream.indirect_vreg.gather [hbm4b:s0+s3], $0x80, v5, vm0, $0xb8;
	[tilespmem:$0x10580] =	vst v63  }
0xf3: {  	v5 =	vld [tilespmem:$0xF0];
	_ =	sdelay $0x4  }
0xf4: {  	v6 =	vshll.u32 v5, $0x1  }
0xf5: {  	v5 =	vand.u32 $0x7, v5;
	v6 =	vand.u32 $0xFFFFFFF0, v6  }
0xf6: {  	v5 =	vor.u32 v5, v6  }
0xf7: {  	v6 =	vperm.xlane v5, v2;
	_ =	sdelay $0x1  }
0xf8: {  	v5 =	vperm.xlane v5, v4;
	v6 =	vadd.s32 v3, v6;
	_ =	sdelay $0x1  }
0xf9: {  	v5 =	vadd.s32 v3, v5;
	_ =	sdelay $0x2  }
0xfa: {  	[tilespmem:s22], [sflag:$0x1] =	stream.indirect_vreg.gather [hbm4b:s0+s3], $0x80, v6, vm0, $0xb8;
	[tilespmem:$0x10580] =	vst v63  }
0xfb: {  	_ = 	snop  }
0xfc: {  	[tilespmem:s23], [sflag:$0x1] =	stream.indirect_vreg.gather [hbm4b:s0+s3], $0x80, v5, vm0, $0xb8;
	[tilespmem:$0x10580] =	vst v63  }
0xfd: {  	_ =	swait.ge [sflag:s7], $0x8000  }
0xfe: {  	[sflag:s7] =	ssyncset.done $0x0  }
0xff: {  	s31 =	rddreg [dreg:$0x7];
	[sflag:s7] =	ssyncadd.s32 $0xFFFF8000  }
0x100: {  	[hbm4b:s31+s3] =	stream.linear.scatter [tilespmem:s6], [sflag:$0x2], $0x10000, $0x38;
	[tilespmem:$0x10580] =	vst v63  }
0x101: {  	_ =	swait.ge [sflag:s5], $0x10000  }
0x102: {  	[sflag:s5] =	ssyncset.done $0x0  }
0x103: {  	[sflag:s5] =	ssyncadd.s32 $0xFFFF0000  }
0x104: {  	[spmem:s2] =	stream.indirect.scatter.add.f32 [tilespmem:s25], [sflag:$0x2], $0x1, s3, s24, $0xb8;
	[tilespmem:$0x10580] =	vst v63  }
0x105: {  	_ =	swait.ge [sflag:s5], $0x80  }
0x106: {  	[sflag:s5] =	ssyncset.done $0x0  }
0x107: {  	[sflag:s5] =	ssyncadd.s32 $0xFFFFFF80  }
0x108: {  	[spmem:s2] =	stream.indirect.scatter.add.f32 [tilespmem:s25], [sflag:$0x2], $0x1, s24, s24, $0xb8;
	[tilespmem:$0x10580] =	vst v63  }
0x109: {  	_ =	swait.ge [sflag:s5], $0x80  }
0x10a: {  	s4 =	sadd.s32 $0xFFFFFFFF, s4;
	[sflag:s5] =	ssyncset.done $0x0  }
0x10b: {  	p1 =	sne.s32 s4, $0x0;
	s28 =	sshrl.u32 @!p0 s2, $0x3;
	[sflag:s5] =	ssyncadd.s32 $0xFFFFFF80  }
0x10c: {  	s1 =	simm.s32 @!p0 $0x1C02;
	s29 =	simm.s32 @!p0 $0x1;
	[bflag:$0x0] =	sbarrier.arrive $0xFFFF  }
0x10d: {  	s30 =	simm.s32 @!p0 $0x20;
	s31 =	simm.s32 @!p0 $0x10;
	s26 =	rddreg [dreg:$0x8]  }
0x10e: {  	[hbm:s26@s30], [sflag:s1] =	dma.strided @!p0 [spmem:s28@s31], $0x400, s29, $0x10   }
.Ltmp0:
0x10f: {  	_ = 	snop;
	(pc) =	sbr.rel @p1 .LBB2_1-.Ltmp0, $4  }
0x110: {  	s1 =	simm.s32 @!p0 $0x2  }
0x111: {  	_ =	swait.ge @!p0 [sflag:s1], $0x400  }
0x112: {  	[sflag:s1] =	ssyncset.done @!p0 $0x0  }
0x113: {  	[sflag:s1] =	ssyncadd.s32 @!p0 $0xFFFFFC00  }
0x114: {  	_ =	sfence.sel $0x180000  }
0x115: {  	[bflag:$0x0] =	sbarrier.arrive $0xFFFF  }
0x116: {  	_ =	strace $0x90000047  }
0x117: {  	[bflag:$0x2] =	sbarrier.arrive $0xFFFF  }
0x118: {  	s0 =	rddreg [dreg:$0x4]  }
0x119: {  	s0 =	sadd.s32 @!p0 $0x100000, s0  }
0x11a: {  	[sflag:s0] =	ssyncadd.tile.s32 @!p0 $0x1;
	_ =	shalt  }
.Lfunc_end2:
_tile_overlayer_lowered:
.L_overlay_start_2:
0x11b: {  	(tag) =	ssettag $0x2  }
0x11c: {  	s0 =	rddreg [dreg:$0x0];
	s2 =	stileid.u32  }
0x11d: {  	s1 =	rddreg [dreg:$0x1];
	p0 =	sne.s32 s2, $0x0  }
0x11e: {  	s3 =	rddreg [dreg:$0x2];
	[bflag:$0x3] =	sbarrier.arrive $0xFFFF;
	s2 =	simm.s32 @!p0 $0x1C02  }
0x11f: {  	[timem:s3], [sflag:s2] =	dma.local @!p0 [hbm:s0], s1  }
0x120: {  	s0 =	simm.s32 @!p0 $0x2  }
0x121: {  	_ =	swait.ge @!p0 [sflag:s0], s1  }
0x122: {  	s1 =	ssub.s32 @!p0 $0x0, s1;
	[sflag:s0] =	ssyncset.done @!p0 $0x0  }
0x123: {  	[sflag:s0] =	ssyncadd.s32 @!p0 s1  }
0x124: {  	[bflag:$0x3] =	sbarrier.arrive $0xFFFF  }
0x125: {  	_ =	shalt  }

</sc_bundles>
